<compile_context>
chip_gen: v7x
topology: tpu7x:2x2x1
jax: 0.10.2.dev20260603
libtpu: 0.0.44.dev20260713+nightly
codegen_flags: <defaults>
</compile_context>

<pallas_src>
import functools

import jax
import jax.numpy as jnp
from jax import lax
from jax.experimental import pallas as pl
from jax.experimental.pallas import tpu as pltpu
from jax.experimental.pallas import tpu_sc as plsc

_BATCH = 16384
_SEQ = 10
_DIM = 128

_NC = 2
_NS = 16
_NW = _NC * _NS
_GRP = 8
_GROW = _GRP * _SEQ
_NGRP = _BATCH // _GRP
_NJ = _NGRP // _NW
_NBUF = 8
_DEPTH = 6


@functools.partial(
    pl.kernel,
    mesh=plsc.VectorSubcoreMesh(core_axis_name="c", subcore_axis_name="s"),
    out_type=jax.ShapeDtypeStruct((_BATCH, _SEQ * _DIM), jnp.float32),
    scratch_types=[
        pltpu.VMEM((_NJ, _GROW), jnp.int32),
        [pltpu.VMEM((_GROW, _DIM), jnp.float32) for _ in range(_NBUF)],
        [pltpu.SemaphoreType.DMA for _ in range(_NBUF)],
        [pltpu.SemaphoreType.DMA for _ in range(_NBUF)],
    ],
)
def _gather_rows(idx_hbm, table_hbm, out_hbm, idx_v, bufs, gsems, ssems):
    wid = lax.axis_index("s") * _NC + lax.axis_index("c")
    base = wid * _NJ
    pltpu.sync_copy(idx_hbm.at[pl.ds(base, _NJ)], idx_v)

    def gather(j, b):
        return pltpu.make_async_copy(table_hbm.at[idx_v.at[j]], bufs[b], gsems[b])

    def scatter(j, b):
        return pltpu.make_async_copy(
            bufs[b].reshape(_GRP, _SEQ * _DIM),
            out_hbm.at[pl.ds((base + j) * _GRP, _GRP)],
            ssems[b],
        )

    for b in range(_DEPTH):
        gather(b, b).start()

    def body(g, carry):
        for b in range(_NBUF):
            j = g * _NBUF + b
            gather(j, b).wait()
            scatter(j, b).start()
            b2 = (b + _DEPTH) % _NBUF

            @pl.when(j + _DEPTH < _NJ)
            def _():
                @pl.when(j >= _NBUF - _DEPTH)
                def _():
                    scatter(j + _DEPTH - _NBUF, b2).wait()

                gather(j + _DEPTH, b2).start()

        return carry

    lax.fori_loop(0, _NJ // _NBUF, body, 0)
    for b in range(_NBUF):
        scatter(_NJ - _NBUF + b, (_NJ - _NBUF + b) % _NBUF).wait()


def kernel(x, table):
    idx = x.astype(jnp.int32).reshape(_NGRP, _GROW)
    return _gather_rows(idx, table)

# --- scband reference (transcript-rebuilt; emitter-appended) ---
"""Pipeline reference for scband-race-prediction-model6-35502199668997 (READ-ONLY COPY).

The authoritative reference and input builder live on the scoring server;
editing this copy changes nothing except your own understanding.
"""

import jax, jax.numpy as jnp
import numpy as np

NUM_DRIVERS = 100000
EMBEDDING_DIM = 128
BATCH = 16384
SEQ = 10

def setup_inputs(seed: int = 0) -> dict:
    key = jax.random.key(seed)
    k_idx, k_tab = jax.random.split(key)
    x = jax.random.randint(k_idx, (BATCH, SEQ), 0, NUM_DRIVERS, dtype=jnp.int64 if jax.config.jax_enable_x64 else jnp.int32)
    table = jax.random.normal(k_tab, (NUM_DRIVERS, EMBEDDING_DIM), dtype=jnp.float32)
    return {"x": x, "table": table}

def reference(x, table):
    # nn.Embedding lookup: [B, 10] -> [B, 10, D]
    emb = jnp.take(table, x, axis=0)
    # x.view(x.size(0), -1): flatten to [B, 10*D]
    out = emb.reshape(emb.shape[0], -1)
    return out

if __name__ == "__main__":
    import jax
    _d = setup_inputs()
    print(jax.jit(kernel)(*tuple(_d.values())))

</pallas_src>

<mosaic_0001>
#map = affine_map<(d0, d1) -> (0, 0)>
module attributes {stable_mosaic.version = 14 : i64} {
  func.func @_gather_rows(%arg0: i32, %arg1: i32, %arg2: memref<2048x80xi32, #tpu.memory_space<hbm>>, %arg3: memref<100000x128xf32, #tpu.memory_space<hbm>>, %arg4: memref<16384x1280xf32, #tpu.memory_space<hbm>>, %arg5: memref<64x80xi32, #tpu.memory_space<vmem>>, %arg6: memref<80x128xf32, #tpu.memory_space<vmem>>, %arg7: memref<80x128xf32, #tpu.memory_space<vmem>>, %arg8: memref<80x128xf32, #tpu.memory_space<vmem>>, %arg9: memref<80x128xf32, #tpu.memory_space<vmem>>, %arg10: memref<80x128xf32, #tpu.memory_space<vmem>>, %arg11: memref<80x128xf32, #tpu.memory_space<vmem>>, %arg12: memref<80x128xf32, #tpu.memory_space<vmem>>, %arg13: memref<80x128xf32, #tpu.memory_space<vmem>>, %arg14: memref<!tpu.dma_semaphore, #tpu.memory_space<semaphore_mem>>, %arg15: memref<!tpu.dma_semaphore, #tpu.memory_space<semaphore_mem>>, %arg16: memref<!tpu.dma_semaphore, #tpu.memory_space<semaphore_mem>>, %arg17: memref<!tpu.dma_semaphore, #tpu.memory_space<semaphore_mem>>, %arg18: memref<!tpu.dma_semaphore, #tpu.memory_space<semaphore_mem>>, %arg19: memref<!tpu.dma_semaphore, #tpu.memory_space<semaphore_mem>>, %arg20: memref<!tpu.dma_semaphore, #tpu.memory_space<semaphore_mem>>, %arg21: memref<!tpu.dma_semaphore, #tpu.memory_space<semaphore_mem>>, %arg22: memref<!tpu.dma_semaphore, #tpu.memory_space<semaphore_mem>>, %arg23: memref<!tpu.dma_semaphore, #tpu.memory_space<semaphore_mem>>, %arg24: memref<!tpu.dma_semaphore, #tpu.memory_space<semaphore_mem>>, %arg25: memref<!tpu.dma_semaphore, #tpu.memory_space<semaphore_mem>>, %arg26: memref<!tpu.dma_semaphore, #tpu.memory_space<semaphore_mem>>, %arg27: memref<!tpu.dma_semaphore, #tpu.memory_space<semaphore_mem>>, %arg28: memref<!tpu.dma_semaphore, #tpu.memory_space<semaphore_mem>>, %arg29: memref<!tpu.dma_semaphore, #tpu.memory_space<semaphore_mem>>) attributes {dimension_semantics = [#tpu.dimension_semantics<core_parallel>, #tpu.dimension_semantics<subcore_parallel>], iteration_bounds = array<i64: 2, 16>, scalar_prefetch = 0 : i64, scratch_operands = 25 : i64, tpu.core_type = #tpu.core_type<sc_vector_subcore>, window_params = [{transform_indices = #map}, {transform_indices = #map}, {transform_indices = #map}]} {
    %mul3A = arith.constant 2 : i32
    %mul3A_0 = arith.muli %arg1, %mul3A : i32
    %add3A = arith.addi %mul3A_0, %arg0 : i32
    %mul3A_1 = arith.constant 64 : i32
    %mul3A_2 = arith.muli %add3A, %mul3A_1 : i32
    "tpu.region"() ({
      %run_scoped3A = tpu.sem_alloc : memref<!tpu.dma_semaphore, #tpu.memory_space<semaphore_mem>>
      %dma_start3A_128 = arith.constant 0 : i32
      %dma_start3A_129 = tpu.memref_slice %arg2[%mul3A_2, %dma_start3A_128] : memref<2048x80xi32, #tpu.memory_space<hbm>> -> memref<64x80xi32, #tpu.memory_space<hbm>>
      %dma_start3A_130 = arith.constant 0 : i32
      %dma_start3A_131 = tpu.memref_slice %arg2[%mul3A_2, %dma_start3A_130] : memref<2048x80xi32, #tpu.memory_space<hbm>> -> memref<64x80xi32, #tpu.memory_space<hbm>>
      tpu.enqueue_dma source(%dma_start3A_131 : memref<64x80xi32, #tpu.memory_space<hbm>>) target(%arg5 : memref<64x80xi32, #tpu.memory_space<vmem>>) target_semaphore(%run_scoped3A : memref<!tpu.dma_semaphore, #tpu.memory_space<semaphore_mem>>)
      %dma_wait3A_132 = arith.constant 0 : i32
      %dma_wait3A_133 = tpu.memref_slice %arg2[%mul3A_2, %dma_wait3A_132] : memref<2048x80xi32, #tpu.memory_space<hbm>> -> memref<64x80xi32, #tpu.memory_space<hbm>>
      %dma_wait3A_134 = arith.constant 0 : i32
      %dma_wait3A_135 = tpu.memref_slice %arg2[%mul3A_2, %dma_wait3A_134] : memref<2048x80xi32, #tpu.memory_space<hbm>> -> memref<64x80xi32, #tpu.memory_space<hbm>>
      tpu.wait_dma2 semaphore(%run_scoped3A : memref<!tpu.dma_semaphore, #tpu.memory_space<semaphore_mem>>) src(%dma_wait3A_135 : memref<64x80xi32, #tpu.memory_space<hbm>>) dst(%arg5 : memref<64x80xi32, #tpu.memory_space<vmem>>)
      tpu.yield
    }) : () -> ()
    %dma_start3A = arith.constant 0 : i32
    %dma_start3A_3 = arith.constant 0 : i32
    %dma_start3A_4 = tpu.memref_slice %arg5[%dma_start3A, %dma_start3A_3] : memref<64x80xi32, #tpu.memory_space<vmem>> -> memref<1x80xi32, #tpu.memory_space<vmem>>
    %dma_start3A_5 = tpu.memref_squeeze %dma_start3A_4 : memref<1x80xi32, #tpu.memory_space<vmem>> -> memref<80xi32, #tpu.memory_space<vmem>>
    %dma_start3A_6 = arith.constant 0 : i32
    %dma_start3A_7 = arith.constant 0 : i32
    %dma_start3A_8 = tpu.memref_slice %arg3[%dma_start3A_6, %dma_start3A_7] : memref<100000x128xf32, #tpu.memory_space<hbm>> -> memref<100000x128xf32, #tpu.memory_space<hbm>>
    tpu.enqueue_indirect_dma source(%dma_start3A_8 : memref<100000x128xf32, #tpu.memory_space<hbm>>) target(%arg6 : memref<80x128xf32, #tpu.memory_space<vmem>>) offsets(%dma_start3A_5 : memref<80xi32, #tpu.memory_space<vmem>>) semaphore(%arg14 : memref<!tpu.dma_semaphore, #tpu.memory_space<semaphore_mem>>)
    %dma_start3A_9 = arith.constant 1 : i32
    %dma_start3A_10 = arith.constant 0 : i32
    %dma_start3A_11 = tpu.memref_slice %arg5[%dma_start3A_9, %dma_start3A_10] : memref<64x80xi32, #tpu.memory_space<vmem>> -> memref<1x80xi32, #tpu.memory_space<vmem>>
    %dma_start3A_12 = tpu.memref_squeeze %dma_start3A_11 : memref<1x80xi32, #tpu.memory_space<vmem>> -> memref<80xi32, #tpu.memory_space<vmem>>
    %dma_start3A_13 = arith.constant 0 : i32
    %dma_start3A_14 = arith.constant 0 : i32
    %dma_start3A_15 = tpu.memref_slice %arg3[%dma_start3A_13, %dma_start3A_14] : memref<100000x128xf32, #tpu.memory_space<hbm>> -> memref<100000x128xf32, #tpu.memory_space<hbm>>
    tpu.enqueue_indirect_dma source(%dma_start3A_15 : memref<100000x128xf32, #tpu.memory_space<hbm>>) target(%arg7 : memref<80x128xf32, #tpu.memory_space<vmem>>) offsets(%dma_start3A_12 : memref<80xi32, #tpu.memory_space<vmem>>) semaphore(%arg15 : memref<!tpu.dma_semaphore, #tpu.memory_space<semaphore_mem>>)
    %dma_start3A_16 = arith.constant 2 : i32
    %dma_start3A_17 = arith.constant 0 : i32
    %dma_start3A_18 = tpu.memref_slice %arg5[%dma_start3A_16, %dma_start3A_17] : memref<64x80xi32, #tpu.memory_space<vmem>> -> memref<1x80xi32, #tpu.memory_space<vmem>>
    %dma_start3A_19 = tpu.memref_squeeze %dma_start3A_18 : memref<1x80xi32, #tpu.memory_space<vmem>> -> memref<80xi32, #tpu.memory_space<vmem>>
    %dma_start3A_20 = arith.constant 0 : i32
    %dma_start3A_21 = arith.constant 0 : i32
    %dma_start3A_22 = tpu.memref_slice %arg3[%dma_start3A_20, %dma_start3A_21] : memref<100000x128xf32, #tpu.memory_space<hbm>> -> memref<100000x128xf32, #tpu.memory_space<hbm>>
    tpu.enqueue_indirect_dma source(%dma_start3A_22 : memref<100000x128xf32, #tpu.memory_space<hbm>>) target(%arg8 : memref<80x128xf32, #tpu.memory_space<vmem>>) offsets(%dma_start3A_19 : memref<80xi32, #tpu.memory_space<vmem>>) semaphore(%arg16 : memref<!tpu.dma_semaphore, #tpu.memory_space<semaphore_mem>>)
    %dma_start3A_23 = arith.constant 3 : i32
    %dma_start3A_24 = arith.constant 0 : i32
    %dma_start3A_25 = tpu.memref_slice %arg5[%dma_start3A_23, %dma_start3A_24] : memref<64x80xi32, #tpu.memory_space<vmem>> -> memref<1x80xi32, #tpu.memory_space<vmem>>
    %dma_start3A_26 = tpu.memref_squeeze %dma_start3A_25 : memref<1x80xi32, #tpu.memory_space<vmem>> -> memref<80xi32, #tpu.memory_space<vmem>>
    %dma_start3A_27 = arith.constant 0 : i32
    %dma_start3A_28 = arith.constant 0 : i32
    %dma_start3A_29 = tpu.memref_slice %arg3[%dma_start3A_27, %dma_start3A_28] : memref<100000x128xf32, #tpu.memory_space<hbm>> -> memref<100000x128xf32, #tpu.memory_space<hbm>>
    tpu.enqueue_indirect_dma source(%dma_start3A_29 : memref<100000x128xf32, #tpu.memory_space<hbm>>) target(%arg9 : memref<80x128xf32, #tpu.memory_space<vmem>>) offsets(%dma_start3A_26 : memref<80xi32, #tpu.memory_space<vmem>>) semaphore(%arg17 : memref<!tpu.dma_semaphore, #tpu.memory_space<semaphore_mem>>)
    %dma_start3A_30 = arith.constant 4 : i32
    %dma_start3A_31 = arith.constant 0 : i32
    %dma_start3A_32 = tpu.memref_slice %arg5[%dma_start3A_30, %dma_start3A_31] : memref<64x80xi32, #tpu.memory_space<vmem>> -> memref<1x80xi32, #tpu.memory_space<vmem>>
    %dma_start3A_33 = tpu.memref_squeeze %dma_start3A_32 : memref<1x80xi32, #tpu.memory_space<vmem>> -> memref<80xi32, #tpu.memory_space<vmem>>
    %dma_start3A_34 = arith.constant 0 : i32
    %dma_start3A_35 = arith.constant 0 : i32
    %dma_start3A_36 = tpu.memref_slice %arg3[%dma_start3A_34, %dma_start3A_35] : memref<100000x128xf32, #tpu.memory_space<hbm>> -> memref<100000x128xf32, #tpu.memory_space<hbm>>
    tpu.enqueue_indirect_dma source(%dma_start3A_36 : memref<100000x128xf32, #tpu.memory_space<hbm>>) target(%arg10 : memref<80x128xf32, #tpu.memory_space<vmem>>) offsets(%dma_start3A_33 : memref<80xi32, #tpu.memory_space<vmem>>) semaphore(%arg18 : memref<!tpu.dma_semaphore, #tpu.memory_space<semaphore_mem>>)
    %dma_start3A_37 = arith.constant 5 : i32
    %dma_start3A_38 = arith.constant 0 : i32
    %dma_start3A_39 = tpu.memref_slice %arg5[%dma_start3A_37, %dma_start3A_38] : memref<64x80xi32, #tpu.memory_space<vmem>> -> memref<1x80xi32, #tpu.memory_space<vmem>>
    %dma_start3A_40 = tpu.memref_squeeze %dma_start3A_39 : memref<1x80xi32, #tpu.memory_space<vmem>> -> memref<80xi32, #tpu.memory_space<vmem>>
    %dma_start3A_41 = arith.constant 0 : i32
    %dma_start3A_42 = arith.constant 0 : i32
    %dma_start3A_43 = tpu.memref_slice %arg3[%dma_start3A_41, %dma_start3A_42] : memref<100000x128xf32, #tpu.memory_space<hbm>> -> memref<100000x128xf32, #tpu.memory_space<hbm>>
    tpu.enqueue_indirect_dma source(%dma_start3A_43 : memref<100000x128xf32, #tpu.memory_space<hbm>>) target(%arg11 : memref<80x128xf32, #tpu.memory_space<vmem>>) offsets(%dma_start3A_40 : memref<80xi32, #tpu.memory_space<vmem>>) semaphore(%arg19 : memref<!tpu.dma_semaphore, #tpu.memory_space<semaphore_mem>>)
    %scan3A = arith.constant 0 : i32
    %scan3A_44 = arith.constant 0 : i32
    %scan3A_45 = arith.constant 8 : i32
    %scan3A_46 = arith.addi %scan3A_44, %scan3A_45 : i32
    %scan3A_47 = arith.constant 1 : i32
    scf.for %scan3A_128 = %scan3A_44 to %scan3A_46 step %scan3A_47  : i32 {
      %mul3A_129 = arith.constant 8 : i32
      %mul3A_130 = arith.muli %scan3A_128, %mul3A_129 : i32
      %add3A_131 = arith.constant 0 : i32
      %add3A_132 = arith.addi %mul3A_130, %add3A_131 : i32
      %dma_wait3A_133 = arith.constant 0 : i32
      %dma_wait3A_134 = tpu.memref_slice %arg5[%add3A_132, %dma_wait3A_133] : memref<64x80xi32, #tpu.memory_space<vmem>> -> memref<1x80xi32, #tpu.memory_space<vmem>>
      %dma_wait3A_135 = tpu.memref_squeeze %dma_wait3A_134 : memref<1x80xi32, #tpu.memory_space<vmem>> -> memref<80xi32, #tpu.memory_space<vmem>>
      %dma_wait3A_136 = arith.constant 0 : i32
      %dma_wait3A_137 = arith.constant 0 : i32
      %dma_wait3A_138 = tpu.memref_slice %arg3[%dma_wait3A_136, %dma_wait3A_137] : memref<100000x128xf32, #tpu.memory_space<hbm>> -> memref<100000x128xf32, #tpu.memory_space<hbm>>
      tpu.wait_indirect_dma semaphore(%arg14 : memref<!tpu.dma_semaphore, #tpu.memory_space<semaphore_mem>>) src(%dma_wait3A_138 : memref<100000x128xf32, #tpu.memory_space<hbm>>) dst(%arg6 : memref<80x128xf32, #tpu.memory_space<vmem>>)
      %add3A_139 = arith.addi %mul3A_2, %add3A_132 : i32
      %mul3A_140 = arith.constant 8 : i32
      %mul3A_141 = arith.muli %add3A_139, %mul3A_140 : i32
      %dma_start3A_142 = tpu.memref_reshape %arg6 : memref<80x128xf32, #tpu.memory_space<vmem>> -> memref<8x1280xf32, #tpu.memory_space<vmem>>
      %dma_start3A_143 = arith.constant 0 : i32
      %dma_start3A_144 = tpu.memref_slice %arg4[%mul3A_141, %dma_start3A_143] : memref<16384x1280xf32, #tpu.memory_space<hbm>> -> memref<8x1280xf32, #tpu.memory_space<hbm>>
      %dma_start3A_145 = arith.constant 0 : i32
      %dma_start3A_146 = tpu.memref_slice %arg4[%mul3A_141, %dma_start3A_145] : memref<16384x1280xf32, #tpu.memory_space<hbm>> -> memref<8x1280xf32, #tpu.memory_space<hbm>>
      %dma_start3A_147 = tpu.memref_reshape %arg6 : memref<80x128xf32, #tpu.memory_space<vmem>> -> memref<8x1280xf32, #tpu.memory_space<vmem>>
      tpu.enqueue_dma source(%dma_start3A_147 : memref<8x1280xf32, #tpu.memory_space<vmem>>) target(%dma_start3A_146 : memref<8x1280xf32, #tpu.memory_space<hbm>>) target_semaphore(%arg22 : memref<!tpu.dma_semaphore, #tpu.memory_space<semaphore_mem>>)
      %add3A_148 = arith.constant 6 : i32
      %add3A_149 = arith.addi %add3A_132, %add3A_148 : i32
      %lt3A = arith.constant 64 : i32
      %lt3A_150 = arith.cmpi slt, %add3A_149, %lt3A : i32
      %convert_element_type3A = arith.extui %lt3A_150 : i1 to i32
      %cond3A = arith.constant 0 : i32
      %cond3A_151 = arith.cmpi ne, %convert_element_type3A, %cond3A : i32
      scf.if %cond3A_151 {
        %ge3A = arith.constant 2 : i32
        %ge3A_334 = arith.cmpi sge, %add3A_132, %ge3A : i32
        %convert_element_type3A_335 = arith.extui %ge3A_334 : i1 to i32
        %cond3A_336 = arith.constant 0 : i32
        %cond3A_337 = arith.cmpi ne, %convert_element_type3A_335, %cond3A_336 : i32
        scf.if %cond3A_337 {
          %add3A_346 = arith.constant 6 : i32
          %add3A_347 = arith.addi %add3A_132, %add3A_346 : i32
          %sub3A = arith.constant 8 : i32
          %sub3A_348 = arith.subi %add3A_347, %sub3A : i32
          %add3A_349 = arith.addi %mul3A_2, %sub3A_348 : i32
          %mul3A_350 = arith.constant 8 : i32
          %mul3A_351 = arith.muli %add3A_349, %mul3A_350 : i32
          %dma_wait3A_352 = tpu.memref_reshape %arg12 : memref<80x128xf32, #tpu.memory_space<vmem>> -> memref<8x1280xf32, #tpu.memory_space<vmem>>
          %dma_wait3A_353 = arith.constant 0 : i32
          %dma_wait3A_354 = tpu.memref_slice %arg4[%mul3A_351, %dma_wait3A_353] : memref<16384x1280xf32, #tpu.memory_space<hbm>> -> memref<8x1280xf32, #tpu.memory_space<hbm>>
          %dma_wait3A_355 = arith.constant 0 : i32
          %dma_wait3A_356 = tpu.memref_slice %arg4[%mul3A_351, %dma_wait3A_355] : memref<16384x1280xf32, #tpu.memory_space<hbm>> -> memref<8x1280xf32, #tpu.memory_space<hbm>>
          %dma_wait3A_357 = tpu.memref_reshape %arg12 : memref<80x128xf32, #tpu.memory_space<vmem>> -> memref<8x1280xf32, #tpu.memory_space<vmem>>
          tpu.wait_dma2 semaphore(%arg28 : memref<!tpu.dma_semaphore, #tpu.memory_space<semaphore_mem>>) src(%dma_wait3A_357 : memref<8x1280xf32, #tpu.memory_space<vmem>>) dst(%dma_wait3A_356 : memref<8x1280xf32, #tpu.memory_space<hbm>>)
        } else {
        }
        %add3A_338 = arith.constant 6 : i32
        %add3A_339 = arith.addi %add3A_132, %add3A_338 : i32
        %dma_start3A_340 = arith.constant 0 : i32
        %dma_start3A_341 = tpu.memref_slice %arg5[%add3A_339, %dma_start3A_340] : memref<64x80xi32, #tpu.memory_space<vmem>> -> memref<1x80xi32, #tpu.memory_space<vmem>>
        %dma_start3A_342 = tpu.memref_squeeze %dma_start3A_341 : memref<1x80xi32, #tpu.memory_space<vmem>> -> memref<80xi32, #tpu.memory_space<vmem>>
        %dma_start3A_343 = arith.constant 0 : i32
        %dma_start3A_344 = arith.constant 0 : i32
        %dma_start3A_345 = tpu.memref_slice %arg3[%dma_start3A_343, %dma_start3A_344] : memref<100000x128xf32, #tpu.memory_space<hbm>> -> memref<100000x128xf32, #tpu.memory_space<hbm>>
        tpu.enqueue_indirect_dma source(%dma_start3A_345 : memref<100000x128xf32, #tpu.memory_space<hbm>>) target(%arg12 : memref<80x128xf32, #tpu.memory_space<vmem>>) offsets(%dma_start3A_342 : memref<80xi32, #tpu.memory_space<vmem>>) semaphore(%arg20 : memref<!tpu.dma_semaphore, #tpu.memory_space<semaphore_mem>>)
      } else {
      }
      %mul3A_152 = arith.constant 8 : i32
      %mul3A_153 = arith.muli %scan3A_128, %mul3A_152 : i32
      %add3A_154 = arith.constant 1 : i32
      %add3A_155 = arith.addi %mul3A_153, %add3A_154 : i32
      %dma_wait3A_156 = arith.constant 0 : i32
      %dma_wait3A_157 = tpu.memref_slice %arg5[%add3A_155, %dma_wait3A_156] : memref<64x80xi32, #tpu.memory_space<vmem>> -> memref<1x80xi32, #tpu.memory_space<vmem>>
      %dma_wait3A_158 = tpu.memref_squeeze %dma_wait3A_157 : memref<1x80xi32, #tpu.memory_space<vmem>> -> memref<80xi32, #tpu.memory_space<vmem>>
      %dma_wait3A_159 = arith.constant 0 : i32
      %dma_wait3A_160 = arith.constant 0 : i32
      %dma_wait3A_161 = tpu.memref_slice %arg3[%dma_wait3A_159, %dma_wait3A_160] : memref<100000x128xf32, #tpu.memory_space<hbm>> -> memref<100000x128xf32, #tpu.memory_space<hbm>>
      tpu.wait_indirect_dma semaphore(%arg15 : memref<!tpu.dma_semaphore, #tpu.memory_space<semaphore_mem>>) src(%dma_wait3A_161 : memref<100000x128xf32, #tpu.memory_space<hbm>>) dst(%arg7 : memref<80x128xf32, #tpu.memory_space<vmem>>)
      %add3A_162 = arith.addi %mul3A_2, %add3A_155 : i32
      %mul3A_163 = arith.constant 8 : i32
      %mul3A_164 = arith.muli %add3A_162, %mul3A_163 : i32
      %dma_start3A_165 = tpu.memref_reshape %arg7 : memref<80x128xf32, #tpu.memory_space<vmem>> -> memref<8x1280xf32, #tpu.memory_space<vmem>>
      %dma_start3A_166 = arith.constant 0 : i32
      %dma_start3A_167 = tpu.memref_slice %arg4[%mul3A_164, %dma_start3A_166] : memref<16384x1280xf32, #tpu.memory_space<hbm>> -> memref<8x1280xf32, #tpu.memory_space<hbm>>
      %dma_start3A_168 = arith.constant 0 : i32
      %dma_start3A_169 = tpu.memref_slice %arg4[%mul3A_164, %dma_start3A_168] : memref<16384x1280xf32, #tpu.memory_space<hbm>> -> memref<8x1280xf32, #tpu.memory_space<hbm>>
      %dma_start3A_170 = tpu.memref_reshape %arg7 : memref<80x128xf32, #tpu.memory_space<vmem>> -> memref<8x1280xf32, #tpu.memory_space<vmem>>
      tpu.enqueue_dma source(%dma_start3A_170 : memref<8x1280xf32, #tpu.memory_space<vmem>>) target(%dma_start3A_169 : memref<8x1280xf32, #tpu.memory_space<hbm>>) target_semaphore(%arg23 : memref<!tpu.dma_semaphore, #tpu.memory_space<semaphore_mem>>)
      %add3A_171 = arith.constant 6 : i32
      %add3A_172 = arith.addi %add3A_155, %add3A_171 : i32
      %lt3A_173 = arith.constant 64 : i32
      %lt3A_174 = arith.cmpi slt, %add3A_172, %lt3A_173 : i32
      %convert_element_type3A_175 = arith.extui %lt3A_174 : i1 to i32
      %cond3A_176 = arith.constant 0 : i32
      %cond3A_177 = arith.cmpi ne, %convert_element_type3A_175, %cond3A_176 : i32
      scf.if %cond3A_177 {
        %ge3A = arith.constant 2 : i32
        %ge3A_334 = arith.cmpi sge, %add3A_155, %ge3A : i32
        %convert_element_type3A_335 = arith.extui %ge3A_334 : i1 to i32
        %cond3A_336 = arith.constant 0 : i32
        %cond3A_337 = arith.cmpi ne, %convert_element_type3A_335, %cond3A_336 : i32
        scf.if %cond3A_337 {
          %add3A_346 = arith.constant 6 : i32
          %add3A_347 = arith.addi %add3A_155, %add3A_346 : i32
          %sub3A = arith.constant 8 : i32
          %sub3A_348 = arith.subi %add3A_347, %sub3A : i32
          %add3A_349 = arith.addi %mul3A_2, %sub3A_348 : i32
          %mul3A_350 = arith.constant 8 : i32
          %mul3A_351 = arith.muli %add3A_349, %mul3A_350 : i32
          %dma_wait3A_352 = tpu.memref_reshape %arg13 : memref<80x128xf32, #tpu.memory_space<vmem>> -> memref<8x1280xf32, #tpu.memory_space<vmem>>
          %dma_wait3A_353 = arith.constant 0 : i32
          %dma_wait3A_354 = tpu.memref_slice %arg4[%mul3A_351, %dma_wait3A_353] : memref<16384x1280xf32, #tpu.memory_space<hbm>> -> memref<8x1280xf32, #tpu.memory_space<hbm>>
          %dma_wait3A_355 = arith.constant 0 : i32
          %dma_wait3A_356 = tpu.memref_slice %arg4[%mul3A_351, %dma_wait3A_355] : memref<16384x1280xf32, #tpu.memory_space<hbm>> -> memref<8x1280xf32, #tpu.memory_space<hbm>>
          %dma_wait3A_357 = tpu.memref_reshape %arg13 : memref<80x128xf32, #tpu.memory_space<vmem>> -> memref<8x1280xf32, #tpu.memory_space<vmem>>
          tpu.wait_dma2 semaphore(%arg29 : memref<!tpu.dma_semaphore, #tpu.memory_space<semaphore_mem>>) src(%dma_wait3A_357 : memref<8x1280xf32, #tpu.memory_space<vmem>>) dst(%dma_wait3A_356 : memref<8x1280xf32, #tpu.memory_space<hbm>>)
        } else {
        }
        %add3A_338 = arith.constant 6 : i32
        %add3A_339 = arith.addi %add3A_155, %add3A_338 : i32
        %dma_start3A_340 = arith.constant 0 : i32
        %dma_start3A_341 = tpu.memref_slice %arg5[%add3A_339, %dma_start3A_340] : memref<64x80xi32, #tpu.memory_space<vmem>> -> memref<1x80xi32, #tpu.memory_space<vmem>>
        %dma_start3A_342 = tpu.memref_squeeze %dma_start3A_341 : memref<1x80xi32, #tpu.memory_space<vmem>> -> memref<80xi32, #tpu.memory_space<vmem>>
        %dma_start3A_343 = arith.constant 0 : i32
        %dma_start3A_344 = arith.constant 0 : i32
        %dma_start3A_345 = tpu.memref_slice %arg3[%dma_start3A_343, %dma_start3A_344] : memref<100000x128xf32, #tpu.memory_space<hbm>> -> memref<100000x128xf32, #tpu.memory_space<hbm>>
        tpu.enqueue_indirect_dma source(%dma_start3A_345 : memref<100000x128xf32, #tpu.memory_space<hbm>>) target(%arg13 : memref<80x128xf32, #tpu.memory_space<vmem>>) offsets(%dma_start3A_342 : memref<80xi32, #tpu.memory_space<vmem>>) semaphore(%arg21 : memref<!tpu.dma_semaphore, #tpu.memory_space<semaphore_mem>>)
      } else {
      }
      %mul3A_178 = arith.constant 8 : i32
      %mul3A_179 = arith.muli %scan3A_128, %mul3A_178 : i32
      %add3A_180 = arith.constant 2 : i32
      %add3A_181 = arith.addi %mul3A_179, %add3A_180 : i32
      %dma_wait3A_182 = arith.constant 0 : i32
      %dma_wait3A_183 = tpu.memref_slice %arg5[%add3A_181, %dma_wait3A_182] : memref<64x80xi32, #tpu.memory_space<vmem>> -> memref<1x80xi32, #tpu.memory_space<vmem>>
      %dma_wait3A_184 = tpu.memref_squeeze %dma_wait3A_183 : memref<1x80xi32, #tpu.memory_space<vmem>> -> memref<80xi32, #tpu.memory_space<vmem>>
      %dma_wait3A_185 = arith.constant 0 : i32
      %dma_wait3A_186 = arith.constant 0 : i32
      %dma_wait3A_187 = tpu.memref_slice %arg3[%dma_wait3A_185, %dma_wait3A_186] : memref<100000x128xf32, #tpu.memory_space<hbm>> -> memref<100000x128xf32, #tpu.memory_space<hbm>>
      tpu.wait_indirect_dma semaphore(%arg16 : memref<!tpu.dma_semaphore, #tpu.memory_space<semaphore_mem>>) src(%dma_wait3A_187 : memref<100000x128xf32, #tpu.memory_space<hbm>>) dst(%arg8 : memref<80x128xf32, #tpu.memory_space<vmem>>)
      %add3A_188 = arith.addi %mul3A_2, %add3A_181 : i32
      %mul3A_189 = arith.constant 8 : i32
      %mul3A_190 = arith.muli %add3A_188, %mul3A_189 : i32
      %dma_start3A_191 = tpu.memref_reshape %arg8 : memref<80x128xf32, #tpu.memory_space<vmem>> -> memref<8x1280xf32, #tpu.memory_space<vmem>>
      %dma_start3A_192 = arith.constant 0 : i32
      %dma_start3A_193 = tpu.memref_slice %arg4[%mul3A_190, %dma_start3A_192] : memref<16384x1280xf32, #tpu.memory_space<hbm>> -> memref<8x1280xf32, #tpu.memory_space<hbm>>
      %dma_start3A_194 = arith.constant 0 : i32
      %dma_start3A_195 = tpu.memref_slice %arg4[%mul3A_190, %dma_start3A_194] : memref<16384x1280xf32, #tpu.memory_space<hbm>> -> memref<8x1280xf32, #tpu.memory_space<hbm>>
      %dma_start3A_196 = tpu.memref_reshape %arg8 : memref<80x128xf32, #tpu.memory_space<vmem>> -> memref<8x1280xf32, #tpu.memory_space<vmem>>
      tpu.enqueue_dma source(%dma_start3A_196 : memref<8x1280xf32, #tpu.memory_space<vmem>>) target(%dma_start3A_195 : memref<8x1280xf32, #tpu.memory_space<hbm>>) target_semaphore(%arg24 : memref<!tpu.dma_semaphore, #tpu.memory_space<semaphore_mem>>)
      %add3A_197 = arith.constant 6 : i32
      %add3A_198 = arith.addi %add3A_181, %add3A_197 : i32
      %lt3A_199 = arith.constant 64 : i32
      %lt3A_200 = arith.cmpi slt, %add3A_198, %lt3A_199 : i32
      %convert_element_type3A_201 = arith.extui %lt3A_200 : i1 to i32
      %cond3A_202 = arith.constant 0 : i32
      %cond3A_203 = arith.cmpi ne, %convert_element_type3A_201, %cond3A_202 : i32
      scf.if %cond3A_203 {
        %ge3A = arith.constant 2 : i32
        %ge3A_334 = arith.cmpi sge, %add3A_181, %ge3A : i32
        %convert_element_type3A_335 = arith.extui %ge3A_334 : i1 to i32
        %cond3A_336 = arith.constant 0 : i32
        %cond3A_337 = arith.cmpi ne, %convert_element_type3A_335, %cond3A_336 : i32
        scf.if %cond3A_337 {
          %add3A_346 = arith.constant 6 : i32
          %add3A_347 = arith.addi %add3A_181, %add3A_346 : i32
          %sub3A = arith.constant 8 : i32
          %sub3A_348 = arith.subi %add3A_347, %sub3A : i32
          %add3A_349 = arith.addi %mul3A_2, %sub3A_348 : i32
          %mul3A_350 = arith.constant 8 : i32
          %mul3A_351 = arith.muli %add3A_349, %mul3A_350 : i32
          %dma_wait3A_352 = tpu.memref_reshape %arg6 : memref<80x128xf32, #tpu.memory_space<vmem>> -> memref<8x1280xf32, #tpu.memory_space<vmem>>
          %dma_wait3A_353 = arith.constant 0 : i32
          %dma_wait3A_354 = tpu.memref_slice %arg4[%mul3A_351, %dma_wait3A_353] : memref<16384x1280xf32, #tpu.memory_space<hbm>> -> memref<8x1280xf32, #tpu.memory_space<hbm>>
          %dma_wait3A_355 = arith.constant 0 : i32
          %dma_wait3A_356 = tpu.memref_slice %arg4[%mul3A_351, %dma_wait3A_355] : memref<16384x1280xf32, #tpu.memory_space<hbm>> -> memref<8x1280xf32, #tpu.memory_space<hbm>>
          %dma_wait3A_357 = tpu.memref_reshape %arg6 : memref<80x128xf32, #tpu.memory_space<vmem>> -> memref<8x1280xf32, #tpu.memory_space<vmem>>
          tpu.wait_dma2 semaphore(%arg22 : memref<!tpu.dma_semaphore, #tpu.memory_space<semaphore_mem>>) src(%dma_wait3A_357 : memref<8x1280xf32, #tpu.memory_space<vmem>>) dst(%dma_wait3A_356 : memref<8x1280xf32, #tpu.memory_space<hbm>>)
        } else {
        }
        %add3A_338 = arith.constant 6 : i32
        %add3A_339 = arith.addi %add3A_181, %add3A_338 : i32
        %dma_start3A_340 = arith.constant 0 : i32
        %dma_start3A_341 = tpu.memref_slice %arg5[%add3A_339, %dma_start3A_340] : memref<64x80xi32, #tpu.memory_space<vmem>> -> memref<1x80xi32, #tpu.memory_space<vmem>>
        %dma_start3A_342 = tpu.memref_squeeze %dma_start3A_341 : memref<1x80xi32, #tpu.memory_space<vmem>> -> memref<80xi32, #tpu.memory_space<vmem>>
        %dma_start3A_343 = arith.constant 0 : i32
        %dma_start3A_344 = arith.constant 0 : i32
        %dma_start3A_345 = tpu.memref_slice %arg3[%dma_start3A_343, %dma_start3A_344] : memref<100000x128xf32, #tpu.memory_space<hbm>> -> memref<100000x128xf32, #tpu.memory_space<hbm>>
        tpu.enqueue_indirect_dma source(%dma_start3A_345 : memref<100000x128xf32, #tpu.memory_space<hbm>>) target(%arg6 : memref<80x128xf32, #tpu.memory_space<vmem>>) offsets(%dma_start3A_342 : memref<80xi32, #tpu.memory_space<vmem>>) semaphore(%arg14 : memref<!tpu.dma_semaphore, #tpu.memory_space<semaphore_mem>>)
      } else {
      }
      %mul3A_204 = arith.constant 8 : i32
      %mul3A_205 = arith.muli %scan3A_128, %mul3A_204 : i32
      %add3A_206 = arith.constant 3 : i32
      %add3A_207 = arith.addi %mul3A_205, %add3A_206 : i32
      %dma_wait3A_208 = arith.constant 0 : i32
      %dma_wait3A_209 = tpu.memref_slice %arg5[%add3A_207, %dma_wait3A_208] : memref<64x80xi32, #tpu.memory_space<vmem>> -> memref<1x80xi32, #tpu.memory_space<vmem>>
      %dma_wait3A_210 = tpu.memref_squeeze %dma_wait3A_209 : memref<1x80xi32, #tpu.memory_space<vmem>> -> memref<80xi32, #tpu.memory_space<vmem>>
      %dma_wait3A_211 = arith.constant 0 : i32
      %dma_wait3A_212 = arith.constant 0 : i32
      %dma_wait3A_213 = tpu.memref_slice %arg3[%dma_wait3A_211, %dma_wait3A_212] : memref<100000x128xf32, #tpu.memory_space<hbm>> -> memref<100000x128xf32, #tpu.memory_space<hbm>>
      tpu.wait_indirect_dma semaphore(%arg17 : memref<!tpu.dma_semaphore, #tpu.memory_space<semaphore_mem>>) src(%dma_wait3A_213 : memref<100000x128xf32, #tpu.memory_space<hbm>>) dst(%arg9 : memref<80x128xf32, #tpu.memory_space<vmem>>)
      %add3A_214 = arith.addi %mul3A_2, %add3A_207 : i32
      %mul3A_215 = arith.constant 8 : i32
      %mul3A_216 = arith.muli %add3A_214, %mul3A_215 : i32
      %dma_start3A_217 = tpu.memref_reshape %arg9 : memref<80x128xf32, #tpu.memory_space<vmem>> -> memref<8x1280xf32, #tpu.memory_space<vmem>>
      %dma_start3A_218 = arith.constant 0 : i32
      %dma_start3A_219 = tpu.memref_slice %arg4[%mul3A_216, %dma_start3A_218] : memref<16384x1280xf32, #tpu.memory_space<hbm>> -> memref<8x1280xf32, #tpu.memory_space<hbm>>
      %dma_start3A_220 = arith.constant 0 : i32
      %dma_start3A_221 = tpu.memref_slice %arg4[%mul3A_216, %dma_start3A_220] : memref<16384x1280xf32, #tpu.memory_space<hbm>> -> memref<8x1280xf32, #tpu.memory_space<hbm>>
      %dma_start3A_222 = tpu.memref_reshape %arg9 : memref<80x128xf32, #tpu.memory_space<vmem>> -> memref<8x1280xf32, #tpu.memory_space<vmem>>
      tpu.enqueue_dma source(%dma_start3A_222 : memref<8x1280xf32, #tpu.memory_space<vmem>>) target(%dma_start3A_221 : memref<8x1280xf32, #tpu.memory_space<hbm>>) target_semaphore(%arg25 : memref<!tpu.dma_semaphore, #tpu.memory_space<semaphore_mem>>)
      %add3A_223 = arith.constant 6 : i32
      %add3A_224 = arith.addi %add3A_207, %add3A_223 : i32
      %lt3A_225 = arith.constant 64 : i32
      %lt3A_226 = arith.cmpi slt, %add3A_224, %lt3A_225 : i32
      %convert_element_type3A_227 = arith.extui %lt3A_226 : i1 to i32
      %cond3A_228 = arith.constant 0 : i32
      %cond3A_229 = arith.cmpi ne, %convert_element_type3A_227, %cond3A_228 : i32
      scf.if %cond3A_229 {
        %ge3A = arith.constant 2 : i32
        %ge3A_334 = arith.cmpi sge, %add3A_207, %ge3A : i32
        %convert_element_type3A_335 = arith.extui %ge3A_334 : i1 to i32
        %cond3A_336 = arith.constant 0 : i32
        %cond3A_337 = arith.cmpi ne, %convert_element_type3A_335, %cond3A_336 : i32
        scf.if %cond3A_337 {
          %add3A_346 = arith.constant 6 : i32
          %add3A_347 = arith.addi %add3A_207, %add3A_346 : i32
          %sub3A = arith.constant 8 : i32
          %sub3A_348 = arith.subi %add3A_347, %sub3A : i32
          %add3A_349 = arith.addi %mul3A_2, %sub3A_348 : i32
          %mul3A_350 = arith.constant 8 : i32
          %mul3A_351 = arith.muli %add3A_349, %mul3A_350 : i32
          %dma_wait3A_352 = tpu.memref_reshape %arg7 : memref<80x128xf32, #tpu.memory_space<vmem>> -> memref<8x1280xf32, #tpu.memory_space<vmem>>
          %dma_wait3A_353 = arith.constant 0 : i32
          %dma_wait3A_354 = tpu.memref_slice %arg4[%mul3A_351, %dma_wait3A_353] : memref<16384x1280xf32, #tpu.memory_space<hbm>> -> memref<8x1280xf32, #tpu.memory_space<hbm>>
          %dma_wait3A_355 = arith.constant 0 : i32
          %dma_wait3A_356 = tpu.memref_slice %arg4[%mul3A_351, %dma_wait3A_355] : memref<16384x1280xf32, #tpu.memory_space<hbm>> -> memref<8x1280xf32, #tpu.memory_space<hbm>>
          %dma_wait3A_357 = tpu.memref_reshape %arg7 : memref<80x128xf32, #tpu.memory_space<vmem>> -> memref<8x1280xf32, #tpu.memory_space<vmem>>
          tpu.wait_dma2 semaphore(%arg23 : memref<!tpu.dma_semaphore, #tpu.memory_space<semaphore_mem>>) src(%dma_wait3A_357 : memref<8x1280xf32, #tpu.memory_space<vmem>>) dst(%dma_wait3A_356 : memref<8x1280xf32, #tpu.memory_space<hbm>>)
        } else {
        }
        %add3A_338 = arith.constant 6 : i32
        %add3A_339 = arith.addi %add3A_207, %add3A_338 : i32
        %dma_start3A_340 = arith.constant 0 : i32
        %dma_start3A_341 = tpu.memref_slice %arg5[%add3A_339, %dma_start3A_340] : memref<64x80xi32, #tpu.memory_space<vmem>> -> memref<1x80xi32, #tpu.memory_space<vmem>>
        %dma_start3A_342 = tpu.memref_squeeze %dma_start3A_341 : memref<1x80xi32, #tpu.memory_space<vmem>> -> memref<80xi32, #tpu.memory_space<vmem>>
        %dma_start3A_343 = arith.constant 0 : i32
        %dma_start3A_344 = arith.constant 0 : i32
        %dma_start3A_345 = tpu.memref_slice %arg3[%dma_start3A_343, %dma_start3A_344] : memref<100000x128xf32, #tpu.memory_space<hbm>> -> memref<100000x128xf32, #tpu.memory_space<hbm>>
        tpu.enqueue_indirect_dma source(%dma_start3A_345 : memref<100000x128xf32, #tpu.memory_space<hbm>>) target(%arg7 : memref<80x128xf32, #tpu.memory_space<vmem>>) offsets(%dma_start3A_342 : memref<80xi32, #tpu.memory_space<vmem>>) semaphore(%arg15 : memref<!tpu.dma_semaphore, #tpu.memory_space<semaphore_mem>>)
      } else {
      }
      %mul3A_230 = arith.constant 8 : i32
      %mul3A_231 = arith.muli %scan3A_128, %mul3A_230 : i32
      %add3A_232 = arith.constant 4 : i32
      %add3A_233 = arith.addi %mul3A_231, %add3A_232 : i32
      %dma_wait3A_234 = arith.constant 0 : i32
      %dma_wait3A_235 = tpu.memref_slice %arg5[%add3A_233, %dma_wait3A_234] : memref<64x80xi32, #tpu.memory_space<vmem>> -> memref<1x80xi32, #tpu.memory_space<vmem>>
      %dma_wait3A_236 = tpu.memref_squeeze %dma_wait3A_235 : memref<1x80xi32, #tpu.memory_space<vmem>> -> memref<80xi32, #tpu.memory_space<vmem>>
      %dma_wait3A_237 = arith.constant 0 : i32
      %dma_wait3A_238 = arith.constant 0 : i32
      %dma_wait3A_239 = tpu.memref_slice %arg3[%dma_wait3A_237, %dma_wait3A_238] : memref<100000x128xf32, #tpu.memory_space<hbm>> -> memref<100000x128xf32, #tpu.memory_space<hbm>>
      tpu.wait_indirect_dma semaphore(%arg18 : memref<!tpu.dma_semaphore, #tpu.memory_space<semaphore_mem>>) src(%dma_wait3A_239 : memref<100000x128xf32, #tpu.memory_space<hbm>>) dst(%arg10 : memref<80x128xf32, #tpu.memory_space<vmem>>)
      %add3A_240 = arith.addi %mul3A_2, %add3A_233 : i32
      %mul3A_241 = arith.constant 8 : i32
      %mul3A_242 = arith.muli %add3A_240, %mul3A_241 : i32
      %dma_start3A_243 = tpu.memref_reshape %arg10 : memref<80x128xf32, #tpu.memory_space<vmem>> -> memref<8x1280xf32, #tpu.memory_space<vmem>>
      %dma_start3A_244 = arith.constant 0 : i32
      %dma_start3A_245 = tpu.memref_slice %arg4[%mul3A_242, %dma_start3A_244] : memref<16384x1280xf32, #tpu.memory_space<hbm>> -> memref<8x1280xf32, #tpu.memory_space<hbm>>
      %dma_start3A_246 = arith.constant 0 : i32
      %dma_start3A_247 = tpu.memref_slice %arg4[%mul3A_242, %dma_start3A_246] : memref<16384x1280xf32, #tpu.memory_space<hbm>> -> memref<8x1280xf32, #tpu.memory_space<hbm>>
      %dma_start3A_248 = tpu.memref_reshape %arg10 : memref<80x128xf32, #tpu.memory_space<vmem>> -> memref<8x1280xf32, #tpu.memory_space<vmem>>
      tpu.enqueue_dma source(%dma_start3A_248 : memref<8x1280xf32, #tpu.memory_space<vmem>>) target(%dma_start3A_247 : memref<8x1280xf32, #tpu.memory_space<hbm>>) target_semaphore(%arg26 : memref<!tpu.dma_semaphore, #tpu.memory_space<semaphore_mem>>)
      %add3A_249 = arith.constant 6 : i32
      %add3A_250 = arith.addi %add3A_233, %add3A_249 : i32
      %lt3A_251 = arith.constant 64 : i32
      %lt3A_252 = arith.cmpi slt, %add3A_250, %lt3A_251 : i32
      %convert_element_type3A_253 = arith.extui %lt3A_252 : i1 to i32
      %cond3A_254 = arith.constant 0 : i32
      %cond3A_255 = arith.cmpi ne, %convert_element_type3A_253, %cond3A_254 : i32
      scf.if %cond3A_255 {
        %ge3A = arith.constant 2 : i32
        %ge3A_334 = arith.cmpi sge, %add3A_233, %ge3A : i32
        %convert_element_type3A_335 = arith.extui %ge3A_334 : i1 to i32
        %cond3A_336 = arith.constant 0 : i32
        %cond3A_337 = arith.cmpi ne, %convert_element_type3A_335, %cond3A_336 : i32
        scf.if %cond3A_337 {
          %add3A_346 = arith.constant 6 : i32
          %add3A_347 = arith.addi %add3A_233, %add3A_346 : i32
          %sub3A = arith.constant 8 : i32
          %sub3A_348 = arith.subi %add3A_347, %sub3A : i32
          %add3A_349 = arith.addi %mul3A_2, %sub3A_348 : i32
          %mul3A_350 = arith.constant 8 : i32
          %mul3A_351 = arith.muli %add3A_349, %mul3A_350 : i32
          %dma_wait3A_352 = tpu.memref_reshape %arg8 : memref<80x128xf32, #tpu.memory_space<vmem>> -> memref<8x1280xf32, #tpu.memory_space<vmem>>
          %dma_wait3A_353 = arith.constant 0 : i32
          %dma_wait3A_354 = tpu.memref_slice %arg4[%mul3A_351, %dma_wait3A_353] : memref<16384x1280xf32, #tpu.memory_space<hbm>> -> memref<8x1280xf32, #tpu.memory_space<hbm>>
          %dma_wait3A_355 = arith.constant 0 : i32
          %dma_wait3A_356 = tpu.memref_slice %arg4[%mul3A_351, %dma_wait3A_355] : memref<16384x1280xf32, #tpu.memory_space<hbm>> -> memref<8x1280xf32, #tpu.memory_space<hbm>>
          %dma_wait3A_357 = tpu.memref_reshape %arg8 : memref<80x128xf32, #tpu.memory_space<vmem>> -> memref<8x1280xf32, #tpu.memory_space<vmem>>
          tpu.wait_dma2 semaphore(%arg24 : memref<!tpu.dma_semaphore, #tpu.memory_space<semaphore_mem>>) src(%dma_wait3A_357 : memref<8x1280xf32, #tpu.memory_space<vmem>>) dst(%dma_wait3A_356 : memref<8x1280xf32, #tpu.memory_space<hbm>>)
        } else {
        }
        %add3A_338 = arith.constant 6 : i32
        %add3A_339 = arith.addi %add3A_233, %add3A_338 : i32
        %dma_start3A_340 = arith.constant 0 : i32
        %dma_start3A_341 = tpu.memref_slice %arg5[%add3A_339, %dma_start3A_340] : memref<64x80xi32, #tpu.memory_space<vmem>> -> memref<1x80xi32, #tpu.memory_space<vmem>>
        %dma_start3A_342 = tpu.memref_squeeze %dma_start3A_341 : memref<1x80xi32, #tpu.memory_space<vmem>> -> memref<80xi32, #tpu.memory_space<vmem>>
        %dma_start3A_343 = arith.constant 0 : i32
        %dma_start3A_344 = arith.constant 0 : i32
        %dma_start3A_345 = tpu.memref_slice %arg3[%dma_start3A_343, %dma_start3A_344] : memref<100000x128xf32, #tpu.memory_space<hbm>> -> memref<100000x128xf32, #tpu.memory_space<hbm>>
        tpu.enqueue_indirect_dma source(%dma_start3A_345 : memref<100000x128xf32, #tpu.memory_space<hbm>>) target(%arg8 : memref<80x128xf32, #tpu.memory_space<vmem>>) offsets(%dma_start3A_342 : memref<80xi32, #tpu.memory_space<vmem>>) semaphore(%arg16 : memref<!tpu.dma_semaphore, #tpu.memory_space<semaphore_mem>>)
      } else {
      }
      %mul3A_256 = arith.constant 8 : i32
      %mul3A_257 = arith.muli %scan3A_128, %mul3A_256 : i32
      %add3A_258 = arith.constant 5 : i32
      %add3A_259 = arith.addi %mul3A_257, %add3A_258 : i32
      %dma_wait3A_260 = arith.constant 0 : i32
      %dma_wait3A_261 = tpu.memref_slice %arg5[%add3A_259, %dma_wait3A_260] : memref<64x80xi32, #tpu.memory_space<vmem>> -> memref<1x80xi32, #tpu.memory_space<vmem>>
      %dma_wait3A_262 = tpu.memref_squeeze %dma_wait3A_261 : memref<1x80xi32, #tpu.memory_space<vmem>> -> memref<80xi32, #tpu.memory_space<vmem>>
      %dma_wait3A_263 = arith.constant 0 : i32
      %dma_wait3A_264 = arith.constant 0 : i32
      %dma_wait3A_265 = tpu.memref_slice %arg3[%dma_wait3A_263, %dma_wait3A_264] : memref<100000x128xf32, #tpu.memory_space<hbm>> -> memref<100000x128xf32, #tpu.memory_space<hbm>>
      tpu.wait_indirect_dma semaphore(%arg19 : memref<!tpu.dma_semaphore, #tpu.memory_space<semaphore_mem>>) src(%dma_wait3A_265 : memref<100000x128xf32, #tpu.memory_space<hbm>>) dst(%arg11 : memref<80x128xf32, #tpu.memory_space<vmem>>)
      %add3A_266 = arith.addi %mul3A_2, %add3A_259 : i32
      %mul3A_267 = arith.constant 8 : i32
      %mul3A_268 = arith.muli %add3A_266, %mul3A_267 : i32
      %dma_start3A_269 = tpu.memref_reshape %arg11 : memref<80x128xf32, #tpu.memory_space<vmem>> -> memref<8x1280xf32, #tpu.memory_space<vmem>>
      %dma_start3A_270 = arith.constant 0 : i32
      %dma_start3A_271 = tpu.memref_slice %arg4[%mul3A_268, %dma_start3A_270] : memref<16384x1280xf32, #tpu.memory_space<hbm>> -> memref<8x1280xf32, #tpu.memory_space<hbm>>
      %dma_start3A_272 = arith.constant 0 : i32
      %dma_start3A_273 = tpu.memref_slice %arg4[%mul3A_268, %dma_start3A_272] : memref<16384x1280xf32, #tpu.memory_space<hbm>> -> memref<8x1280xf32, #tpu.memory_space<hbm>>
      %dma_start3A_274 = tpu.memref_reshape %arg11 : memref<80x128xf32, #tpu.memory_space<vmem>> -> memref<8x1280xf32, #tpu.memory_space<vmem>>
      tpu.enqueue_dma source(%dma_start3A_274 : memref<8x1280xf32, #tpu.memory_space<vmem>>) target(%dma_start3A_273 : memref<8x1280xf32, #tpu.memory_space<hbm>>) target_semaphore(%arg27 : memref<!tpu.dma_semaphore, #tpu.memory_space<semaphore_mem>>)
      %add3A_275 = arith.constant 6 : i32
      %add3A_276 = arith.addi %add3A_259, %add3A_275 : i32
      %lt3A_277 = arith.constant 64 : i32
      %lt3A_278 = arith.cmpi slt, %add3A_276, %lt3A_277 : i32
      %convert_element_type3A_279 = arith.extui %lt3A_278 : i1 to i32
      %cond3A_280 = arith.constant 0 : i32
      %cond3A_281 = arith.cmpi ne, %convert_element_type3A_279, %cond3A_280 : i32
      scf.if %cond3A_281 {
        %ge3A = arith.constant 2 : i32
        %ge3A_334 = arith.cmpi sge, %add3A_259, %ge3A : i32
        %convert_element_type3A_335 = arith.extui %ge3A_334 : i1 to i32
        %cond3A_336 = arith.constant 0 : i32
        %cond3A_337 = arith.cmpi ne, %convert_element_type3A_335, %cond3A_336 : i32
        scf.if %cond3A_337 {
          %add3A_346 = arith.constant 6 : i32
          %add3A_347 = arith.addi %add3A_259, %add3A_346 : i32
          %sub3A = arith.constant 8 : i32
          %sub3A_348 = arith.subi %add3A_347, %sub3A : i32
          %add3A_349 = arith.addi %mul3A_2, %sub3A_348 : i32
          %mul3A_350 = arith.constant 8 : i32
          %mul3A_351 = arith.muli %add3A_349, %mul3A_350 : i32
          %dma_wait3A_352 = tpu.memref_reshape %arg9 : memref<80x128xf32, #tpu.memory_space<vmem>> -> memref<8x1280xf32, #tpu.memory_space<vmem>>
          %dma_wait3A_353 = arith.constant 0 : i32
          %dma_wait3A_354 = tpu.memref_slice %arg4[%mul3A_351, %dma_wait3A_353] : memref<16384x1280xf32, #tpu.memory_space<hbm>> -> memref<8x1280xf32, #tpu.memory_space<hbm>>
          %dma_wait3A_355 = arith.constant 0 : i32
          %dma_wait3A_356 = tpu.memref_slice %arg4[%mul3A_351, %dma_wait3A_355] : memref<16384x1280xf32, #tpu.memory_space<hbm>> -> memref<8x1280xf32, #tpu.memory_space<hbm>>
          %dma_wait3A_357 = tpu.memref_reshape %arg9 : memref<80x128xf32, #tpu.memory_space<vmem>> -> memref<8x1280xf32, #tpu.memory_space<vmem>>
          tpu.wait_dma2 semaphore(%arg25 : memref<!tpu.dma_semaphore, #tpu.memory_space<semaphore_mem>>) src(%dma_wait3A_357 : memref<8x1280xf32, #tpu.memory_space<vmem>>) dst(%dma_wait3A_356 : memref<8x1280xf32, #tpu.memory_space<hbm>>)
        } else {
        }
        %add3A_338 = arith.constant 6 : i32
        %add3A_339 = arith.addi %add3A_259, %add3A_338 : i32
        %dma_start3A_340 = arith.constant 0 : i32
        %dma_start3A_341 = tpu.memref_slice %arg5[%add3A_339, %dma_start3A_340] : memref<64x80xi32, #tpu.memory_space<vmem>> -> memref<1x80xi32, #tpu.memory_space<vmem>>
        %dma_start3A_342 = tpu.memref_squeeze %dma_start3A_341 : memref<1x80xi32, #tpu.memory_space<vmem>> -> memref<80xi32, #tpu.memory_space<vmem>>
        %dma_start3A_343 = arith.constant 0 : i32
        %dma_start3A_344 = arith.constant 0 : i32
        %dma_start3A_345 = tpu.memref_slice %arg3[%dma_start3A_343, %dma_start3A_344] : memref<100000x128xf32, #tpu.memory_space<hbm>> -> memref<100000x128xf32, #tpu.memory_space<hbm>>
        tpu.enqueue_indirect_dma source(%dma_start3A_345 : memref<100000x128xf32, #tpu.memory_space<hbm>>) target(%arg9 : memref<80x128xf32, #tpu.memory_space<vmem>>) offsets(%dma_start3A_342 : memref<80xi32, #tpu.memory_space<vmem>>) semaphore(%arg17 : memref<!tpu.dma_semaphore, #tpu.memory_space<semaphore_mem>>)
      } else {
      }
      %mul3A_282 = arith.constant 8 : i32
      %mul3A_283 = arith.muli %scan3A_128, %mul3A_282 : i32
      %add3A_284 = arith.constant 6 : i32
      %add3A_285 = arith.addi %mul3A_283, %add3A_284 : i32
      %dma_wait3A_286 = arith.constant 0 : i32
      %dma_wait3A_287 = tpu.memref_slice %arg5[%add3A_285, %dma_wait3A_286] : memref<64x80xi32, #tpu.memory_space<vmem>> -> memref<1x80xi32, #tpu.memory_space<vmem>>
      %dma_wait3A_288 = tpu.memref_squeeze %dma_wait3A_287 : memref<1x80xi32, #tpu.memory_space<vmem>> -> memref<80xi32, #tpu.memory_space<vmem>>
      %dma_wait3A_289 = arith.constant 0 : i32
      %dma_wait3A_290 = arith.constant 0 : i32
      %dma_wait3A_291 = tpu.memref_slice %arg3[%dma_wait3A_289, %dma_wait3A_290] : memref<100000x128xf32, #tpu.memory_space<hbm>> -> memref<100000x128xf32, #tpu.memory_space<hbm>>
      tpu.wait_indirect_dma semaphore(%arg20 : memref<!tpu.dma_semaphore, #tpu.memory_space<semaphore_mem>>) src(%dma_wait3A_291 : memref<100000x128xf32, #tpu.memory_space<hbm>>) dst(%arg12 : memref<80x128xf32, #tpu.memory_space<vmem>>)
      %add3A_292 = arith.addi %mul3A_2, %add3A_285 : i32
      %mul3A_293 = arith.constant 8 : i32
      %mul3A_294 = arith.muli %add3A_292, %mul3A_293 : i32
      %dma_start3A_295 = tpu.memref_reshape %arg12 : memref<80x128xf32, #tpu.memory_space<vmem>> -> memref<8x1280xf32, #tpu.memory_space<vmem>>
      %dma_start3A_296 = arith.constant 0 : i32
      %dma_start3A_297 = tpu.memref_slice %arg4[%mul3A_294, %dma_start3A_296] : memref<16384x1280xf32, #tpu.memory_space<hbm>> -> memref<8x1280xf32, #tpu.memory_space<hbm>>
      %dma_start3A_298 = arith.constant 0 : i32
      %dma_start3A_299 = tpu.memref_slice %arg4[%mul3A_294, %dma_start3A_298] : memref<16384x1280xf32, #tpu.memory_space<hbm>> -> memref<8x1280xf32, #tpu.memory_space<hbm>>
      %dma_start3A_300 = tpu.memref_reshape %arg12 : memref<80x128xf32, #tpu.memory_space<vmem>> -> memref<8x1280xf32, #tpu.memory_space<vmem>>
      tpu.enqueue_dma source(%dma_start3A_300 : memref<8x1280xf32, #tpu.memory_space<vmem>>) target(%dma_start3A_299 : memref<8x1280xf32, #tpu.memory_space<hbm>>) target_semaphore(%arg28 : memref<!tpu.dma_semaphore, #tpu.memory_space<semaphore_mem>>)
      %add3A_301 = arith.constant 6 : i32
      %add3A_302 = arith.addi %add3A_285, %add3A_301 : i32
      %lt3A_303 = arith.constant 64 : i32
      %lt3A_304 = arith.cmpi slt, %add3A_302, %lt3A_303 : i32
      %convert_element_type3A_305 = arith.extui %lt3A_304 : i1 to i32
      %cond3A_306 = arith.constant 0 : i32
      %cond3A_307 = arith.cmpi ne, %convert_element_type3A_305, %cond3A_306 : i32
      scf.if %cond3A_307 {
        %ge3A = arith.constant 2 : i32
        %ge3A_334 = arith.cmpi sge, %add3A_285, %ge3A : i32
        %convert_element_type3A_335 = arith.extui %ge3A_334 : i1 to i32
        %cond3A_336 = arith.constant 0 : i32
        %cond3A_337 = arith.cmpi ne, %convert_element_type3A_335, %cond3A_336 : i32
        scf.if %cond3A_337 {
          %add3A_346 = arith.constant 6 : i32
          %add3A_347 = arith.addi %add3A_285, %add3A_346 : i32
          %sub3A = arith.constant 8 : i32
          %sub3A_348 = arith.subi %add3A_347, %sub3A : i32
          %add3A_349 = arith.addi %mul3A_2, %sub3A_348 : i32
          %mul3A_350 = arith.constant 8 : i32
          %mul3A_351 = arith.muli %add3A_349, %mul3A_350 : i32
          %dma_wait3A_352 = tpu.memref_reshape %arg10 : memref<80x128xf32, #tpu.memory_space<vmem>> -> memref<8x1280xf32, #tpu.memory_space<vmem>>
          %dma_wait3A_353 = arith.constant 0 : i32
          %dma_wait3A_354 = tpu.memref_slice %arg4[%mul3A_351, %dma_wait3A_353] : memref<16384x1280xf32, #tpu.memory_space<hbm>> -> memref<8x1280xf32, #tpu.memory_space<hbm>>
          %dma_wait3A_355 = arith.constant 0 : i32
          %dma_wait3A_356 = tpu.memref_slice %arg4[%mul3A_351, %dma_wait3A_355] : memref<16384x1280xf32, #tpu.memory_space<hbm>> -> memref<8x1280xf32, #tpu.memory_space<hbm>>
          %dma_wait3A_357 = tpu.memref_reshape %arg10 : memref<80x128xf32, #tpu.memory_space<vmem>> -> memref<8x1280xf32, #tpu.memory_space<vmem>>
          tpu.wait_dma2 semaphore(%arg26 : memref<!tpu.dma_semaphore, #tpu.memory_space<semaphore_mem>>) src(%dma_wait3A_357 : memref<8x1280xf32, #tpu.memory_space<vmem>>) dst(%dma_wait3A_356 : memref<8x1280xf32, #tpu.memory_space<hbm>>)
        } else {
        }
        %add3A_338 = arith.constant 6 : i32
        %add3A_339 = arith.addi %add3A_285, %add3A_338 : i32
        %dma_start3A_340 = arith.constant 0 : i32
        %dma_start3A_341 = tpu.memref_slice %arg5[%add3A_339, %dma_start3A_340] : memref<64x80xi32, #tpu.memory_space<vmem>> -> memref<1x80xi32, #tpu.memory_space<vmem>>
        %dma_start3A_342 = tpu.memref_squeeze %dma_start3A_341 : memref<1x80xi32, #tpu.memory_space<vmem>> -> memref<80xi32, #tpu.memory_space<vmem>>
        %dma_start3A_343 = arith.constant 0 : i32
        %dma_start3A_344 = arith.constant 0 : i32
        %dma_start3A_345 = tpu.memref_slice %arg3[%dma_start3A_343, %dma_start3A_344] : memref<100000x128xf32, #tpu.memory_space<hbm>> -> memref<100000x128xf32, #tpu.memory_space<hbm>>
        tpu.enqueue_indirect_dma source(%dma_start3A_345 : memref<100000x128xf32, #tpu.memory_space<hbm>>) target(%arg10 : memref<80x128xf32, #tpu.memory_space<vmem>>) offsets(%dma_start3A_342 : memref<80xi32, #tpu.memory_space<vmem>>) semaphore(%arg18 : memref<!tpu.dma_semaphore, #tpu.memory_space<semaphore_mem>>)
      } else {
      }
      %mul3A_308 = arith.constant 8 : i32
      %mul3A_309 = arith.muli %scan3A_128, %mul3A_308 : i32
      %add3A_310 = arith.constant 7 : i32
      %add3A_311 = arith.addi %mul3A_309, %add3A_310 : i32
      %dma_wait3A_312 = arith.constant 0 : i32
      %dma_wait3A_313 = tpu.memref_slice %arg5[%add3A_311, %dma_wait3A_312] : memref<64x80xi32, #tpu.memory_space<vmem>> -> memref<1x80xi32, #tpu.memory_space<vmem>>
      %dma_wait3A_314 = tpu.memref_squeeze %dma_wait3A_313 : memref<1x80xi32, #tpu.memory_space<vmem>> -> memref<80xi32, #tpu.memory_space<vmem>>
      %dma_wait3A_315 = arith.constant 0 : i32
      %dma_wait3A_316 = arith.constant 0 : i32
      %dma_wait3A_317 = tpu.memref_slice %arg3[%dma_wait3A_315, %dma_wait3A_316] : memref<100000x128xf32, #tpu.memory_space<hbm>> -> memref<100000x128xf32, #tpu.memory_space<hbm>>
      tpu.wait_indirect_dma semaphore(%arg21 : memref<!tpu.dma_semaphore, #tpu.memory_space<semaphore_mem>>) src(%dma_wait3A_317 : memref<100000x128xf32, #tpu.memory_space<hbm>>) dst(%arg13 : memref<80x128xf32, #tpu.memory_space<vmem>>)
      %add3A_318 = arith.addi %mul3A_2, %add3A_311 : i32
      %mul3A_319 = arith.constant 8 : i32
      %mul3A_320 = arith.muli %add3A_318, %mul3A_319 : i32
      %dma_start3A_321 = tpu.memref_reshape %arg13 : memref<80x128xf32, #tpu.memory_space<vmem>> -> memref<8x1280xf32, #tpu.memory_space<vmem>>
      %dma_start3A_322 = arith.constant 0 : i32
      %dma_start3A_323 = tpu.memref_slice %arg4[%mul3A_320, %dma_start3A_322] : memref<16384x1280xf32, #tpu.memory_space<hbm>> -> memref<8x1280xf32, #tpu.memory_space<hbm>>
      %dma_start3A_324 = arith.constant 0 : i32
      %dma_start3A_325 = tpu.memref_slice %arg4[%mul3A_320, %dma_start3A_324] : memref<16384x1280xf32, #tpu.memory_space<hbm>> -> memref<8x1280xf32, #tpu.memory_space<hbm>>
      %dma_start3A_326 = tpu.memref_reshape %arg13 : memref<80x128xf32, #tpu.memory_space<vmem>> -> memref<8x1280xf32, #tpu.memory_space<vmem>>
      tpu.enqueue_dma source(%dma_start3A_326 : memref<8x1280xf32, #tpu.memory_space<vmem>>) target(%dma_start3A_325 : memref<8x1280xf32, #tpu.memory_space<hbm>>) target_semaphore(%arg29 : memref<!tpu.dma_semaphore, #tpu.memory_space<semaphore_mem>>)
      %add3A_327 = arith.constant 6 : i32
      %add3A_328 = arith.addi %add3A_311, %add3A_327 : i32
      %lt3A_329 = arith.constant 64 : i32
      %lt3A_330 = arith.cmpi slt, %add3A_328, %lt3A_329 : i32
      %convert_element_type3A_331 = arith.extui %lt3A_330 : i1 to i32
      %cond3A_332 = arith.constant 0 : i32
      %cond3A_333 = arith.cmpi ne, %convert_element_type3A_331, %cond3A_332 : i32
      scf.if %cond3A_333 {
        %ge3A = arith.constant 2 : i32
        %ge3A_334 = arith.cmpi sge, %add3A_311, %ge3A : i32
        %convert_element_type3A_335 = arith.extui %ge3A_334 : i1 to i32
        %cond3A_336 = arith.constant 0 : i32
        %cond3A_337 = arith.cmpi ne, %convert_element_type3A_335, %cond3A_336 : i32
        scf.if %cond3A_337 {
          %add3A_346 = arith.constant 6 : i32
          %add3A_347 = arith.addi %add3A_311, %add3A_346 : i32
          %sub3A = arith.constant 8 : i32
          %sub3A_348 = arith.subi %add3A_347, %sub3A : i32
          %add3A_349 = arith.addi %mul3A_2, %sub3A_348 : i32
          %mul3A_350 = arith.constant 8 : i32
          %mul3A_351 = arith.muli %add3A_349, %mul3A_350 : i32
          %dma_wait3A_352 = tpu.memref_reshape %arg11 : memref<80x128xf32, #tpu.memory_space<vmem>> -> memref<8x1280xf32, #tpu.memory_space<vmem>>
          %dma_wait3A_353 = arith.constant 0 : i32
          %dma_wait3A_354 = tpu.memref_slice %arg4[%mul3A_351, %dma_wait3A_353] : memref<16384x1280xf32, #tpu.memory_space<hbm>> -> memref<8x1280xf32, #tpu.memory_space<hbm>>
          %dma_wait3A_355 = arith.constant 0 : i32
          %dma_wait3A_356 = tpu.memref_slice %arg4[%mul3A_351, %dma_wait3A_355] : memref<16384x1280xf32, #tpu.memory_space<hbm>> -> memref<8x1280xf32, #tpu.memory_space<hbm>>
          %dma_wait3A_357 = tpu.memref_reshape %arg11 : memref<80x128xf32, #tpu.memory_space<vmem>> -> memref<8x1280xf32, #tpu.memory_space<vmem>>
          tpu.wait_dma2 semaphore(%arg27 : memref<!tpu.dma_semaphore, #tpu.memory_space<semaphore_mem>>) src(%dma_wait3A_357 : memref<8x1280xf32, #tpu.memory_space<vmem>>) dst(%dma_wait3A_356 : memref<8x1280xf32, #tpu.memory_space<hbm>>)
        } else {
        }
        %add3A_338 = arith.constant 6 : i32
        %add3A_339 = arith.addi %add3A_311, %add3A_338 : i32
        %dma_start3A_340 = arith.constant 0 : i32
        %dma_start3A_341 = tpu.memref_slice %arg5[%add3A_339, %dma_start3A_340] : memref<64x80xi32, #tpu.memory_space<vmem>> -> memref<1x80xi32, #tpu.memory_space<vmem>>
        %dma_start3A_342 = tpu.memref_squeeze %dma_start3A_341 : memref<1x80xi32, #tpu.memory_space<vmem>> -> memref<80xi32, #tpu.memory_space<vmem>>
        %dma_start3A_343 = arith.constant 0 : i32
        %dma_start3A_344 = arith.constant 0 : i32
        %dma_start3A_345 = tpu.memref_slice %arg3[%dma_start3A_343, %dma_start3A_344] : memref<100000x128xf32, #tpu.memory_space<hbm>> -> memref<100000x128xf32, #tpu.memory_space<hbm>>
        tpu.enqueue_indirect_dma source(%dma_start3A_345 : memref<100000x128xf32, #tpu.memory_space<hbm>>) target(%arg11 : memref<80x128xf32, #tpu.memory_space<vmem>>) offsets(%dma_start3A_342 : memref<80xi32, #tpu.memory_space<vmem>>) semaphore(%arg19 : memref<!tpu.dma_semaphore, #tpu.memory_space<semaphore_mem>>)
      } else {
      }
    }
    %scan3A_48 = arith.constant 8 : i32
    %add3A_49 = arith.constant 56 : i32
    %add3A_50 = arith.addi %mul3A_2, %add3A_49 : i32
    %mul3A_51 = arith.constant 8 : i32
    %mul3A_52 = arith.muli %add3A_50, %mul3A_51 : i32
    %dma_wait3A = tpu.memref_reshape %arg6 : memref<80x128xf32, #tpu.memory_space<vmem>> -> memref<8x1280xf32, #tpu.memory_space<vmem>>
    %dma_wait3A_53 = arith.constant 0 : i32
    %dma_wait3A_54 = tpu.memref_slice %arg4[%mul3A_52, %dma_wait3A_53] : memref<16384x1280xf32, #tpu.memory_space<hbm>> -> memref<8x1280xf32, #tpu.memory_space<hbm>>
    %dma_wait3A_55 = arith.constant 0 : i32
    %dma_wait3A_56 = tpu.memref_slice %arg4[%mul3A_52, %dma_wait3A_55] : memref<16384x1280xf32, #tpu.memory_space<hbm>> -> memref<8x1280xf32, #tpu.memory_space<hbm>>
    %dma_wait3A_57 = tpu.memref_reshape %arg6 : memref<80x128xf32, #tpu.memory_space<vmem>> -> memref<8x1280xf32, #tpu.memory_space<vmem>>
    tpu.wait_dma2 semaphore(%arg22 : memref<!tpu.dma_semaphore, #tpu.memory_space<semaphore_mem>>) src(%dma_wait3A_57 : memref<8x1280xf32, #tpu.memory_space<vmem>>) dst(%dma_wait3A_56 : memref<8x1280xf32, #tpu.memory_space<hbm>>)
    %add3A_58 = arith.constant 57 : i32
    %add3A_59 = arith.addi %mul3A_2, %add3A_58 : i32
    %mul3A_60 = arith.constant 8 : i32
    %mul3A_61 = arith.muli %add3A_59, %mul3A_60 : i32
    %dma_wait3A_62 = tpu.memref_reshape %arg7 : memref<80x128xf32, #tpu.memory_space<vmem>> -> memref<8x1280xf32, #tpu.memory_space<vmem>>
    %dma_wait3A_63 = arith.constant 0 : i32
    %dma_wait3A_64 = tpu.memref_slice %arg4[%mul3A_61, %dma_wait3A_63] : memref<16384x1280xf32, #tpu.memory_space<hbm>> -> memref<8x1280xf32, #tpu.memory_space<hbm>>
    %dma_wait3A_65 = arith.constant 0 : i32
    %dma_wait3A_66 = tpu.memref_slice %arg4[%mul3A_61, %dma_wait3A_65] : memref<16384x1280xf32, #tpu.memory_space<hbm>> -> memref<8x1280xf32, #tpu.memory_space<hbm>>
    %dma_wait3A_67 = tpu.memref_reshape %arg7 : memref<80x128xf32, #tpu.memory_space<vmem>> -> memref<8x1280xf32, #tpu.memory_space<vmem>>
    tpu.wait_dma2 semaphore(%arg23 : memref<!tpu.dma_semaphore, #tpu.memory_space<semaphore_mem>>) src(%dma_wait3A_67 : memref<8x1280xf32, #tpu.memory_space<vmem>>) dst(%dma_wait3A_66 : memref<8x1280xf32, #tpu.memory_space<hbm>>)
    %add3A_68 = arith.constant 58 : i32
    %add3A_69 = arith.addi %mul3A_2, %add3A_68 : i32
    %mul3A_70 = arith.constant 8 : i32
    %mul3A_71 = arith.muli %add3A_69, %mul3A_70 : i32
    %dma_wait3A_72 = tpu.memref_reshape %arg8 : memref<80x128xf32, #tpu.memory_space<vmem>> -> memref<8x1280xf32, #tpu.memory_space<vmem>>
    %dma_wait3A_73 = arith.constant 0 : i32
    %dma_wait3A_74 = tpu.memref_slice %arg4[%mul3A_71, %dma_wait3A_73] : memref<16384x1280xf32, #tpu.memory_space<hbm>> -> memref<8x1280xf32, #tpu.memory_space<hbm>>
    %dma_wait3A_75 = arith.constant 0 : i32
    %dma_wait3A_76 = tpu.memref_slice %arg4[%mul3A_71, %dma_wait3A_75] : memref<16384x1280xf32, #tpu.memory_space<hbm>> -> memref<8x1280xf32, #tpu.memory_space<hbm>>
    %dma_wait3A_77 = tpu.memref_reshape %arg8 : memref<80x128xf32, #tpu.memory_space<vmem>> -> memref<8x1280xf32, #tpu.memory_space<vmem>>
    tpu.wait_dma2 semaphore(%arg24 : memref<!tpu.dma_semaphore, #tpu.memory_space<semaphore_mem>>) src(%dma_wait3A_77 : memref<8x1280xf32, #tpu.memory_space<vmem>>) dst(%dma_wait3A_76 : memref<8x1280xf32, #tpu.memory_space<hbm>>)
    %add3A_78 = arith.constant 59 : i32
    %add3A_79 = arith.addi %mul3A_2, %add3A_78 : i32
    %mul3A_80 = arith.constant 8 : i32
    %mul3A_81 = arith.muli %add3A_79, %mul3A_80 : i32
    %dma_wait3A_82 = tpu.memref_reshape %arg9 : memref<80x128xf32, #tpu.memory_space<vmem>> -> memref<8x1280xf32, #tpu.memory_space<vmem>>
    %dma_wait3A_83 = arith.constant 0 : i32
    %dma_wait3A_84 = tpu.memref_slice %arg4[%mul3A_81, %dma_wait3A_83] : memref<16384x1280xf32, #tpu.memory_space<hbm>> -> memref<8x1280xf32, #tpu.memory_space<hbm>>
    %dma_wait3A_85 = arith.constant 0 : i32
    %dma_wait3A_86 = tpu.memref_slice %arg4[%mul3A_81, %dma_wait3A_85] : memref<16384x1280xf32, #tpu.memory_space<hbm>> -> memref<8x1280xf32, #tpu.memory_space<hbm>>
    %dma_wait3A_87 = tpu.memref_reshape %arg9 : memref<80x128xf32, #tpu.memory_space<vmem>> -> memref<8x1280xf32, #tpu.memory_space<vmem>>
    tpu.wait_dma2 semaphore(%arg25 : memref<!tpu.dma_semaphore, #tpu.memory_space<semaphore_mem>>) src(%dma_wait3A_87 : memref<8x1280xf32, #tpu.memory_space<vmem>>) dst(%dma_wait3A_86 : memref<8x1280xf32, #tpu.memory_space<hbm>>)
    %add3A_88 = arith.constant 60 : i32
    %add3A_89 = arith.addi %mul3A_2, %add3A_88 : i32
    %mul3A_90 = arith.constant 8 : i32
    %mul3A_91 = arith.muli %add3A_89, %mul3A_90 : i32
    %dma_wait3A_92 = tpu.memref_reshape %arg10 : memref<80x128xf32, #tpu.memory_space<vmem>> -> memref<8x1280xf32, #tpu.memory_space<vmem>>
    %dma_wait3A_93 = arith.constant 0 : i32
    %dma_wait3A_94 = tpu.memref_slice %arg4[%mul3A_91, %dma_wait3A_93] : memref<16384x1280xf32, #tpu.memory_space<hbm>> -> memref<8x1280xf32, #tpu.memory_space<hbm>>
    %dma_wait3A_95 = arith.constant 0 : i32
    %dma_wait3A_96 = tpu.memref_slice %arg4[%mul3A_91, %dma_wait3A_95] : memref<16384x1280xf32, #tpu.memory_space<hbm>> -> memref<8x1280xf32, #tpu.memory_space<hbm>>
    %dma_wait3A_97 = tpu.memref_reshape %arg10 : memref<80x128xf32, #tpu.memory_space<vmem>> -> memref<8x1280xf32, #tpu.memory_space<vmem>>
    tpu.wait_dma2 semaphore(%arg26 : memref<!tpu.dma_semaphore, #tpu.memory_space<semaphore_mem>>) src(%dma_wait3A_97 : memref<8x1280xf32, #tpu.memory_space<vmem>>) dst(%dma_wait3A_96 : memref<8x1280xf32, #tpu.memory_space<hbm>>)
    %add3A_98 = arith.constant 61 : i32
    %add3A_99 = arith.addi %mul3A_2, %add3A_98 : i32
    %mul3A_100 = arith.constant 8 : i32
    %mul3A_101 = arith.muli %add3A_99, %mul3A_100 : i32
    %dma_wait3A_102 = tpu.memref_reshape %arg11 : memref<80x128xf32, #tpu.memory_space<vmem>> -> memref<8x1280xf32, #tpu.memory_space<vmem>>
    %dma_wait3A_103 = arith.constant 0 : i32
    %dma_wait3A_104 = tpu.memref_slice %arg4[%mul3A_101, %dma_wait3A_103] : memref<16384x1280xf32, #tpu.memory_space<hbm>> -> memref<8x1280xf32, #tpu.memory_space<hbm>>
    %dma_wait3A_105 = arith.constant 0 : i32
    %dma_wait3A_106 = tpu.memref_slice %arg4[%mul3A_101, %dma_wait3A_105] : memref<16384x1280xf32, #tpu.memory_space<hbm>> -> memref<8x1280xf32, #tpu.memory_space<hbm>>
    %dma_wait3A_107 = tpu.memref_reshape %arg11 : memref<80x128xf32, #tpu.memory_space<vmem>> -> memref<8x1280xf32, #tpu.memory_space<vmem>>
    tpu.wait_dma2 semaphore(%arg27 : memref<!tpu.dma_semaphore, #tpu.memory_space<semaphore_mem>>) src(%dma_wait3A_107 : memref<8x1280xf32, #tpu.memory_space<vmem>>) dst(%dma_wait3A_106 : memref<8x1280xf32, #tpu.memory_space<hbm>>)
    %add3A_108 = arith.constant 62 : i32
    %add3A_109 = arith.addi %mul3A_2, %add3A_108 : i32
    %mul3A_110 = arith.constant 8 : i32
    %mul3A_111 = arith.muli %add3A_109, %mul3A_110 : i32
    %dma_wait3A_112 = tpu.memref_reshape %arg12 : memref<80x128xf32, #tpu.memory_space<vmem>> -> memref<8x1280xf32, #tpu.memory_space<vmem>>
    %dma_wait3A_113 = arith.constant 0 : i32
    %dma_wait3A_114 = tpu.memref_slice %arg4[%mul3A_111, %dma_wait3A_113] : memref<16384x1280xf32, #tpu.memory_space<hbm>> -> memref<8x1280xf32, #tpu.memory_space<hbm>>
    %dma_wait3A_115 = arith.constant 0 : i32
    %dma_wait3A_116 = tpu.memref_slice %arg4[%mul3A_111, %dma_wait3A_115] : memref<16384x1280xf32, #tpu.memory_space<hbm>> -> memref<8x1280xf32, #tpu.memory_space<hbm>>
    %dma_wait3A_117 = tpu.memref_reshape %arg12 : memref<80x128xf32, #tpu.memory_space<vmem>> -> memref<8x1280xf32, #tpu.memory_space<vmem>>
    tpu.wait_dma2 semaphore(%arg28 : memref<!tpu.dma_semaphore, #tpu.memory_space<semaphore_mem>>) src(%dma_wait3A_117 : memref<8x1280xf32, #tpu.memory_space<vmem>>) dst(%dma_wait3A_116 : memref<8x1280xf32, #tpu.memory_space<hbm>>)
    %add3A_118 = arith.constant 63 : i32
    %add3A_119 = arith.addi %mul3A_2, %add3A_118 : i32
    %mul3A_120 = arith.constant 8 : i32
    %mul3A_121 = arith.muli %add3A_119, %mul3A_120 : i32
    %dma_wait3A_122 = tpu.memref_reshape %arg13 : memref<80x128xf32, #tpu.memory_space<vmem>> -> memref<8x1280xf32, #tpu.memory_space<vmem>>
    %dma_wait3A_123 = arith.constant 0 : i32
    %dma_wait3A_124 = tpu.memref_slice %arg4[%mul3A_121, %dma_wait3A_123] : memref<16384x1280xf32, #tpu.memory_space<hbm>> -> memref<8x1280xf32, #tpu.memory_space<hbm>>
    %dma_wait3A_125 = arith.constant 0 : i32
    %dma_wait3A_126 = tpu.memref_slice %arg4[%mul3A_121, %dma_wait3A_125] : memref<16384x1280xf32, #tpu.memory_space<hbm>> -> memref<8x1280xf32, #tpu.memory_space<hbm>>
    %dma_wait3A_127 = tpu.memref_reshape %arg13 : memref<80x128xf32, #tpu.memory_space<vmem>> -> memref<8x1280xf32, #tpu.memory_space<vmem>>
    tpu.wait_dma2 semaphore(%arg29 : memref<!tpu.dma_semaphore, #tpu.memory_space<semaphore_mem>>) src(%dma_wait3A_127 : memref<8x1280xf32, #tpu.memory_space<vmem>>) dst(%dma_wait3A_126 : memref<8x1280xf32, #tpu.memory_space<hbm>>)
    return
  }
}

</mosaic_0001>

<sc_bundles>
// kernel: kernel.3.cloned.1.call-start
scs
__scs_entry_jumppad:
0x0: {  	(pc) =	sbr.rel $0x88, $3  }
0x1: {  	(tag) =	ssettag $0x0;
	lr =	simm.s32 $0x1  }
0x2: {  	[smem:$0x3F9F] =	sst lr;
	_ =	strace $0xD0000000  }
0x3: {  	_ = 	snop  }
0x4: {  	_ = 	snop  }
0x5: {  	_ = 	snop  }
0x6: {  	_ = 	snop  }
0x7: {  	_ = 	snop  }
__scs_overlays_trampoline_lowered:
0x8: {  	[smem:$0x3FAE] =	sst s0  }
0x9: {  	[smem:$0x3FAF] =	sst s1  }
0xa: {  	[smem:$0x3FB0] =	sst s2  }
0xb: {  	[smem:$0x3FB1] =	sst s3  }
0xc: {  	[smem:$0x3FB2] =	sst s4  }
0xd: {  	[smem:$0x3FB3] =	sst s5  }
0xe: {  	[smem:$0x3FB4] =	sst s6  }
0xf: {  	[smem:$0x3FB5] =	sst s7  }
0x10: {  	[smem:$0x3FB6] =	sst s8  }
0x11: {  	[smem:$0x3FB7] =	sst s9;
	s0 =	simm.s32 @!p0 $0x0  }
0x12: {  	s1 =	sld [smem:$0x3F9D];
	s0 =	simm.s32 @p0 $0x1  }
0x13: {  	[smem:$0x3FB8] =	sst s0;
	s0 =	simm.s32 @!p1 $0x0  }
0x14: {  	s2 =	sld [smem:$0x3F9C];
	s0 =	simm.s32 @p1 $0x1  }
0x15: {  	[smem:$0x3FB9] =	sst s0;
	s0 =	simm.s32 @!p2 $0x0  }
0x16: {  	s3 =	sld [smem:$0x3FDB];
	s0 =	simm.s32 @p2 $0x1  }
0x17: {  	s4 =	simm.s32 $0x1BF5;
	[smem:$0x3FBB] =	sst s0  }
0x18: {  	s0 =	sld [smem:$0x3F9E];
	_ =	swait.ge [sflag:s4], $0x0  }
0x19: {  	s7 =	sld [smem:$0x3F9F]  }
0x1a: {  	s8 =	sadd.s32 $0xFFFFE003, lr  }
0x1b: {  	s9 =	sadd.s32 $0xFFFFFEF7, lr;
	s5 =	simm.s32 $0xFFFFFFFF;
	p2 =	slt.u32 s8, $0xFFFFF086  }
0x1c: {  	p1 =	slt.u32 s9, $0xF7A;
	s5 =	simm.s32 @!p2 $0x0  }
0x1d: {  	s5 =	simm.s32 @p1 $0x1;
	p0 =	seq.s32 s7, s2  }
0x1e: {  	s7 =	smul.u32 @!p0 $0xF7A, s2;
	p2 =	seq.s32 @!p0 s5, $0x0  }
0x1f: {  	s9 =	smul.u32 $0xF7A, s1;
	s8 =	simm.s32 @!p0 $0x1BF5;
	p2 =	por !p2, p0  }
0x20: {  	[sflag:s8] =	ssyncset.s32 @!p0 $0xFFFFF086;
	s6 =	sadd.s32 @!p0 s3, s7;
	s7 =	simm.s32 @!p0 $0x108  }
0x21: {  	s3 =	sadd.s32 s3, s9;
	s6 =	sadd.s32 @!p0 $0x88, s6;
	s7 =	simm.s32 @p2 $0x1082  }
0x22: {  	[simem:s7], [sflag:s8] =	dma.local @!p0 [hbm:s6], $0xF7A  }
0x23: {  	s9 =	sor.u32 $0xD0000000, s2;
	s6 =	simm.s32 $0x108;
	_ =	swait.ge @!p0 [sflag:s8], $0x0  }
0x24: {  	s3 =	sadd.s32 $0x88, s3;
	s6 =	simm.s32 @!p1 $0x1082;
	[sflag:s4] =	ssyncset.s32 $0xFFFFF086  }
0x25: {  	[simem:s6], [sflag:s4] =	dma.local [hbm:s3], $0xF7A  }
0x26: {  	[smem:$0x3F9F] =	sst s1;
	(tag) =	ssettag s2;
	_ =	strace s9  }
0x27: {  	s1 =	sld [smem:$0x3FAF]  }
0x28: {  	s2 =	sld [smem:$0x3FB0]  }
0x29: {  	s4 =	sld [smem:$0x3FB2]  }
0x2a: {  	p0 =	seq.s32 s5, $0x0;
	s5 =	sld [smem:$0x3FB3]  }
0x2b: {  	s6 =	sld [smem:$0x3FB4]  }
0x2c: {  	s7 =	sld [smem:$0x3FB5]  }
0x2d: {  	s3 =	simm.s32 $0x108;
	s8 =	sld [smem:$0x3FB6]  }
0x2e: {  	s3 =	simm.s32 @!p0 $0x1082;
	s9 =	sld [smem:$0x3FB7]  }
0x2f: {  	lr =	sadd.s32 s0, s3;
	s0 =	sld [smem:$0x3FAE]  }
0x30: {  	s3 =	sld [smem:$0x3FB1]  }
0x31: {  	[smem:$0x3FBA] =	sst s10  }
0x32: {  	s10 =	sld [smem:$0x3FB8];
	_ =	sdelay $0x3  }
0x33: {  	p0 =	seq.s32 s10, $0x1;
	s10 =	sld [smem:$0x3FBA];
	_ =	sdelay $0x3  }
0x34: {  	[smem:$0x3FBA] =	sst s10  }
0x35: {  	s10 =	sld [smem:$0x3FB9];
	_ =	sdelay $0x3  }
0x36: {  	p1 =	seq.s32 s10, $0x1;
	s10 =	sld [smem:$0x3FBA];
	_ =	sdelay $0x3  }
0x37: {  	[smem:$0x3FBA] =	sst s10  }
0x38: {  	s10 =	sld [smem:$0x3FBB]  }
0x39: {  	_ = 	snop;
	(pc) =	sbr.ind lr, $3  }
0x3a: {  	_ = 	snop  }
0x3b: {  	_ = 	snop  }
0x3c: {  	p2 =	seq.s32 s10, $0x1;
	s10 =	sld [smem:$0x3FBA]  }
0x3d: {  	_ =	shalt  }
0x3e: {  	_ =	shalt  }
0x3f: {  	_ =	shalt  }
0x40: {  	_ =	shalt  }
0x41: {  	_ =	shalt  }
0x42: {  	_ =	shalt  }
0x43: {  	_ =	shalt  }
0x44: {  	_ =	shalt  }
0x45: {  	_ =	shalt  }
0x46: {  	_ =	shalt  }
0x47: {  	_ =	shalt  }
0x48: {  	_ =	shalt  }
0x49: {  	_ =	shalt  }
0x4a: {  	_ =	shalt  }
0x4b: {  	_ =	shalt  }
0x4c: {  	_ =	shalt  }
0x4d: {  	_ =	shalt  }
0x4e: {  	_ =	shalt  }
0x4f: {  	_ =	shalt  }
0x50: {  	_ =	shalt  }
0x51: {  	_ =	shalt  }
0x52: {  	_ =	shalt  }
0x53: {  	_ =	shalt  }
0x54: {  	_ =	shalt  }
0x55: {  	_ =	shalt  }
0x56: {  	_ =	shalt  }
0x57: {  	_ =	shalt  }
0x58: {  	_ =	shalt  }
0x59: {  	_ =	shalt  }
0x5a: {  	_ =	shalt  }
0x5b: {  	_ =	shalt  }
0x5c: {  	_ =	shalt  }
0x5d: {  	_ =	shalt  }
0x5e: {  	_ =	shalt  }
0x5f: {  	_ =	shalt  }
0x60: {  	_ =	shalt  }
0x61: {  	_ =	shalt  }
0x62: {  	_ =	shalt  }
0x63: {  	_ =	shalt  }
0x64: {  	_ =	shalt  }
0x65: {  	_ =	shalt  }
0x66: {  	_ =	shalt  }
0x67: {  	_ =	shalt  }
0x68: {  	_ =	shalt  }
0x69: {  	_ =	shalt  }
0x6a: {  	_ =	shalt  }
0x6b: {  	_ =	shalt  }
0x6c: {  	_ =	shalt  }
0x6d: {  	_ =	shalt  }
0x6e: {  	_ =	shalt  }
0x6f: {  	_ =	shalt  }
0x70: {  	_ =	shalt  }
0x71: {  	_ =	shalt  }
0x72: {  	_ =	shalt  }
0x73: {  	_ =	shalt  }
0x74: {  	_ =	shalt  }
0x75: {  	_ =	shalt  }
0x76: {  	_ =	shalt  }
0x77: {  	_ =	shalt  }
0x78: {  	_ =	shalt  }
0x79: {  	_ =	shalt  }
0x7a: {  	_ =	shalt  }
0x7b: {  	_ =	shalt  }
0x7c: {  	_ =	shalt  }
0x7d: {  	_ =	shalt  }
0x7e: {  	_ =	shalt  }
0x7f: {  	_ =	shalt  }
0x80: {  	_ =	shalt  }
0x81: {  	_ =	shalt  }
0x82: {  	_ =	shalt  }
0x83: {  	_ =	shalt  }
0x84: {  	_ =	shalt  }
0x85: {  	_ =	shalt  }
0x86: {  	_ =	shalt  }
0x87: {  	_ =	shalt  }
.Lfunc_end0:
.L_simem_size_0:
called_computation_lowered:
.L_overlay_start_0:
0x88: {  	s2 =	sld [smem:$0x3FD9]  }
0x89: {  	s3 =	sld [smem:$0x3FFE];
	_ =	sdelay $0x1  }
0x8a: {  	s1 =	srdreg.scid  }
0x8b: {  	s0 =	sand.u32 $0x1, s1  }
0x8c: {  	s17 =	sshll.u32 s0, $0xA;
	s2 =	sadd.s32 s3, s2  }
0x8d: {  	s2 =	sadd.s32 s2, s17  }
0x8e: {  	[smem:$0x3FC6] =	sst s2  }
0x8f: {  	_ = 	snop  }
0x90: {  	s2 =	sld [smem:$0x3FC8]  }
0x91: {  	s18 =	sld [smem:$0x3FD0];
	(tm) =	ssettm $0x1  }
0x92: {  	s4 =	sld [smem:$0x3FFB];
	_ =	sdelay $0x3  }
0x93: {  	_ =	strace s4  }
0x94: {  	s4 =	sld [smem:$0x3FFC];
	_ =	sdelay $0x3  }
0x95: {  	_ =	strace s4  }
0x96: {  	s4 =	sld [smem:$0x3FFD];
	_ =	sdelay $0x3  }
0x97: {  	_ =	strace s4  }
0x98: {  	_ =	strace $0x8FFFFFFF  }
0x99: {  	s19 =	sld [smem:$0x3FDB];
	_ =	sdelay $0x1  }
0x9a: {  	s5 =	simm.s32 $_scs_section_size  }
0x9b: {  	s6 =	simm.s32 $_size__tile_overlayer_lowered;
	s7 =	simm.s32 $_tile_overlayer_lowered  }
0x9c: {  	s22 =	simm.s32 $0x1BFF;
	s21 =	sshll.u32 s7, $0x1;
	s4 =	sadd.s32 s5, s19  }
0x9d: {  	s8 =	simm.s32 $0x0;
	s20 =	sshll.u32 s6, $0x1;
	s6 =	sadd.s32 s21, s4  }
0x9e: {  	[timem:s8], [sflag:s22] =	dma.local [hbm:s6], s20  }
0x9f: {  	_ =	swait.ge [sflag:s22], s20  }
0xa0: {  	s5 =	ssub.s32 $0x0, s20;
	[sflag:s22] =	ssyncset.done $0x0  }
0xa1: {  	[sflag:s22] =	ssyncadd.s32 s5;
	_ =	sdelay $0x1  }
0xa2: {  	s23 =	simm.s32 $0x1B8B  }
0xa3: {  	_ =	swait.ge [sflag:s23], $0x1  }
0xa4: {  	[sflag:s23] =	ssyncset.done $0x0  }
0xa5: {  	s25 =	simm.s32 $0x1B8E;
	s24 =	sld [smem:$0x3FFE];
	[sflag:s23] =	ssyncadd.s32 $0xFFFFFFFF  }
0xa6: {  	s26 =	simm.s32 $execute0_lowered;
	[smem:$0x3FD2] =	sst s25  }
0xa7: {  	s6 =	sshll.u32 s26, $0x1;
	_ =	strace $0x80000046;
	[dreg:$0x1] =	wrdreg $0xFFFFFFFF  }
0xa8: {  	s28 =	simm.s32 $_size_execute0_lowered;
	s4 =	sadd.s32 s4, s6;
	[dreg:$0x0] =	wrdreg $0x0  }
0xa9: {  	s6 =	sshll.u32 s28, $0x1;
	[dreg:$0x2] =	wrdreg s4  }
0xaa: {  	[dreg:$0x3] =	wrdreg s6  }
0xab: {  	[dreg:$0x4] =	wrdreg $0xC0  }
0xac: {  	_ =	task [dreg:s8], $0x5FFFF  }
0xad: {  	[dreg:$0x1] =	wrdreg $0xFFFFFFFF  }
0xae: {  	[dreg:$0x0] =	wrdreg $0x60  }
0xaf: {  	[dreg:$0x2] =	wrdreg s24  }
0xb0: {  	[dreg:$0x3] =	wrdreg s2  }
0xb1: {  	[dreg:$0x4] =	wrdreg s18  }
0xb2: {  	[dreg:$0x5] =	wrdreg $0x9  }
0xb3: {  	_ =	task.clear_ibuf [dreg:s8], $0x6FFFF;
	_ =	strace $0x90000046  }
0xb4: {  	s29 =	simm.s32 $0x9;
	_ =	strace $0x80000048  }
0xb5: {  	_ =	swait.ge [sflag:s29], $0x1  }
0xb6: {  	[sflag:s29] =	ssyncadd.s32 $0xFFFFFFFF  }
0xb7: {  	_ =	strace $0x90000048  }
0xb8: {  	_ =	sfence  }
0xb9: {  	s30 =	sld [smem:$0x0];
	_ =	sdelay $0x2  }
0xba: {  	s31 =	sshll.u32 s1, $0xD;
	s1 =	sshrl.u32 s1, $0x2  }
0xbb: {  	s3 =	sand.u32 $0x4000, s31;
	s1 =	sadd.s32 s1, s30  }
0xbc: {  	s0 =	sor.u32 s3, s0;
	s1 =	sshll.u32 s1, $0x11  }
0xbd: {  	s0 =	sor.u32 s1, s0  }
0xbe: {  	s0 =	sadd.s32 $0x8F2B, s0  }
0xbf: {  	[sflag:s0] =	ssyncadd.remote.s32 $0x1  }
0xc0: {  	_ =	sfence.sel $0xFFFF  }
0xc1: {  	[dreg:$0x0] =	wrdreg $0xFFFFFFFF;
	(pc) =	sbr.abs _section_cstart, $3  }
0xc2: {  	[dreg:$0x1] =	wrdreg $0xFFFFFFFF  }
0xc3: {  	_ =	task.clear_ibuf [dreg:s8], $0x2FFFF;
	_ =	strace $0x9FFFFFFF  }
0xc4: {  	(tm) =	ssettm $0x7FFFFFFF  }
0xc5: {  	_ =	shalt  }
tec
execute0_lowered:
.L_overlay_start_1:
0x0: {  	(tag) =	ssettag $0x1  }
0x1: {  	s0 =	rddreg [dreg:$0x0]  }
0x2: {  	s1 =	rddreg [dreg:$0x1]  }
0x3: {  	s2 =	rddreg [dreg:$0x2];
	s3 =	simm.s32 $0x0;
	s23 =	srdreg.scid  }
0x4: {  	s7 =	stileid.u32;
	s8 =	simm.s32 $0x50;
	s10 =	simm.s32 $0x80  }
0x5: {  	s19 =	simm.s32 $0xE800;
	s20 =	simm.s32 $0x1;
	s21 =	simm.s32 $0x400  }
0x6: {  	s30 =	simm.s32 $0x11000;
	s31 =	simm.s32 $0x2;
	s13 =	simm.s32 $0x4  }
0x7: {  	s9 =	simm.s32 $0x6;
	s28 =	simm.s32 $0x7;
	s18 =	simm.s32 $0x13300  }
0x8: {  	s22 =	simm.s32 $0x14700;
	s11 =	simm.s32 $0x14C00;
	s15 =	simm.s32 $0xE  }
0x9: {  	s14 =	simm.s32 $0x0;
	[smem:$0x7FF] =	sst s3;
	s3 =	sand.u32 $0x1, s23  }
0xa: {  	s4 =	sshll.u32 s7, $0xB;
	s7 =	smul.u32 $0x28000, s7;
	s23 =	simm.s32 $0x15100  }
0xb: {  	_ =	strace $0x80000047;
	s5 =	sshll.u32 s3, $0xA;
	s6 =	ssub.s32 $0x2, s3  }
0xc: {  	s3 =	smul.u32 $0x14000, s3;
	s4 =	sor.u32 s5, s4;
	s24 =	sshrl.u32 s6, $0x1  }
0xd: {  	s29 =	sadd.s32 s7, s2;
	s5 =	simm.s32 $0x3;
	s2 =	simm.s32 $0x5  }
.Ltmp0:
0xe: {  	s7 =	simm.s32 $0x14200;
	s0 =	sadd.s32 s4, s0;
	(pc) =	sbr.rel .LBB2_1-.Ltmp0, $4  }
0xf: {  	s25 =	ssub.s32 s6, s24;
	s4 =	simm.s32 $0x13800;
	s0 =	sadd.s32 $0x400, s0  }
0x10: {  	s6 =	simm.s32 $0x13D00;
	s26 =	smax.u32 s25, $0x1;
	[dreg:$0x4] =	wrdreg s0  }
0x11: {  	s24 =	simm.s32 $0x15600;
	[dreg:$0x5] =	wrdreg s26;
	s0 =	sadd.s32 s3, s29  }
0x12: {  	s25 =	simm.s32 $0x15B00;
	s3 =	simm.s32 $0x8;
	[dreg:$0x6] =	wrdreg s0  }
.LBB2_4:
0x13: {  	s0 =	simm.s32 $0x9  }
0x14: {  	_ =	swait.ge [sflag:s0], $0x2800  }
0x15: {  	[sflag:s0] =	ssyncset.done $0x0  }
0x16: {  	s12 =	simm.s32 $0xA;
	[sflag:s0] =	ssyncadd.s32 $0xFFFFD800  }
0x17: {  	_ =	swait.ge [sflag:s12], $0x2800  }
0x18: {  	[sflag:s12] =	ssyncset.done $0x0  }
0x19: {  	s14 =	simm.s32 $0xB;
	[sflag:s12] =	ssyncadd.s32 $0xFFFFD800  }
0x1a: {  	_ =	swait.ge [sflag:s14], $0x2800  }
0x1b: {  	[sflag:s14] =	ssyncset.done $0x0  }
0x1c: {  	s16 =	simm.s32 $0xC;
	[sflag:s14] =	ssyncadd.s32 $0xFFFFD800  }
0x1d: {  	_ =	swait.ge [sflag:s16], $0x2800  }
0x1e: {  	[sflag:s16] =	ssyncset.done $0x0  }
0x1f: {  	s17 =	simm.s32 $0xD;
	[sflag:s16] =	ssyncadd.s32 $0xFFFFD800  }
0x20: {  	_ =	swait.ge [sflag:s17], $0x2800  }
0x21: {  	[sflag:s17] =	ssyncset.done $0x0  }
0x22: {  	[sflag:s17] =	ssyncadd.s32 $0xFFFFD800  }
0x23: {  	_ =	swait.ge [sflag:s15], $0x2800  }
0x24: {  	[sflag:s15] =	ssyncset.done $0x0  }
0x25: {  	s26 =	simm.s32 $0xF;
	[sflag:s15] =	ssyncadd.s32 $0xFFFFD800  }
0x26: {  	_ =	swait.ge [sflag:s26], $0x2800  }
0x27: {  	[sflag:s26] =	ssyncset.done $0x0  }
0x28: {  	s12 =	simm.s32 $0x10;
	[sflag:s26] =	ssyncadd.s32 $0xFFFFD800  }
0x29: {  	_ =	swait.ge [sflag:s12], $0x2800  }
0x2a: {  	s14 =	rddreg [dreg:$0x7]  }
0x2b: {  	s29 =	rddreg [dreg:$0x5];
	s14 =	sadd.s32 $0x1, s14  }
0x2c: {  	p0 =	sne.s32 s14, s29  }
.Ltmp1:
0x2d: {  	_ = 	snop;
	(pc) =	sbr.rel @!p0 .LBB2_5-.Ltmp1, $3  }
0x2e: {  	_ =	sdelay $0x1  }
0x2f: {  	[sflag:s12] =	ssyncset.done $0x0  }
0x30: {  	[sflag:s12] =	ssyncadd.s32 $0xFFFFD800  }
.LBB2_1:
0x31: {  	[dreg:$0x7] =	wrdreg s14  }
0x32: {  	s0 =	simm.s32 $0x0;
	s12 =	rddreg [dreg:$0x4];
	s14 =	simm.s32 $0x11  }
0x33: {  	[tilespmem:s0], [sflag:$0x11] =	stream.linear.gather [hbm4b:s12+s0], $0x2000, $0x38;
	[tilespmem:$0x16000] =	vst v63  }
0x34: {  	_ =	swait.ge [sflag:s14], $0x2000  }
0x35: {  	[sflag:s14] =	ssyncset.done $0x0  }
0x36: {  	s16 =	simm.s32 $0x2000;
	[sflag:s14] =	ssyncadd.s32 $0xFFFFE000  }
0x37: {  	[tilespmem:s16], [sflag:$0x1] =	stream.indirect.gather [hbm4b:s1+s8], $0x80, s0, s8, $0xb8;
	[tilespmem:$0x16000] =	vst v63  }
0x38: {  	s17 =	simm.s32 $0x4800  }
0x39: {  	[tilespmem:s17], [sflag:$0x2] =	stream.indirect.gather [hbm4b:s1+s8], $0x80, s10, s8, $0xb8;
	[tilespmem:$0x16000] =	vst v63  }
0x3a: {  	s26 =	simm.s32 $0x100;
	s29 =	simm.s32 $0x7000  }
0x3b: {  	[tilespmem:s29], [sflag:$0x3] =	stream.indirect.gather [hbm4b:s1+s8], $0x80, s26, s8, $0xb8;
	[tilespmem:$0x16000] =	vst v63  }
0x3c: {  	s14 =	simm.s32 $0x180;
	s16 =	simm.s32 $0x9800  }
0x3d: {  	[tilespmem:s16], [sflag:$0x4] =	stream.indirect.gather [hbm4b:s1+s8], $0x80, s14, s8, $0xb8;
	[tilespmem:$0x16000] =	vst v63  }
0x3e: {  	s17 =	simm.s32 $0x200;
	s26 =	simm.s32 $0xC000  }
0x3f: {  	[tilespmem:s26], [sflag:$0x5] =	stream.indirect.gather [hbm4b:s1+s8], $0x80, s17, s8, $0xb8;
	[tilespmem:$0x16000] =	vst v63  }
0x40: {  	s29 =	simm.s32 $0x280;
	s26 =	rddreg [dreg:$0x6];
	s17 =	simm.s32 $0x0  }
0x41: {  	[tilespmem:s19], [sflag:$0x6] =	stream.indirect.gather [hbm4b:s1+s8], $0x80, s29, s8, $0xb8;
	[tilespmem:$0x16000] =	vst v63  }
.LBB2_2:
0x42: {  	_ =	swait.ge [sflag:s20], $0x2800  }
0x43: {  	[sflag:s20] =	ssyncset.done $0x0  }
0x44: {  	s0 =	simm.s32 $0x2000;
	[sflag:s20] =	ssyncadd.s32 $0xFFFFD800  }
0x45: {  	[hbm4b:s26+s10] =	stream.strided.scatter [tilespmem:s0], [sflag:$0x9], $0x500, s21, s10, $0x38;
	[tilespmem:$0x16000] =	vst v63  }
0x46: {  	s16 =	sadd.s32 $0x10, s26;
	s12 =	simm.s32 $0x2500  }
0x47: {  	[hbm4b:s16+s10] =	stream.strided.scatter [tilespmem:s12], [sflag:$0x9], $0x500, s21, s10, $0x38;
	[tilespmem:$0x16000] =	vst v63  }
0x48: {  	s14 =	sadd.s32 $0x20, s26;
	s16 =	simm.s32 $0x2A00  }
0x49: {  	[hbm4b:s14+s10] =	stream.strided.scatter [tilespmem:s16], [sflag:$0x9], $0x500, s21, s10, $0x38;
	[tilespmem:$0x16000] =	vst v63  }
0x4a: {  	s14 =	sadd.s32 $0x30, s26;
	s16 =	simm.s32 $0x2F00  }
0x4b: {  	[hbm4b:s14+s10] =	stream.strided.scatter [tilespmem:s16], [sflag:$0x9], $0x500, s21, s10, $0x38;
	[tilespmem:$0x16000] =	vst v63  }
0x4c: {  	s14 =	sadd.s32 $0x40, s26;
	s16 =	simm.s32 $0x3400  }
0x4d: {  	[hbm4b:s14+s10] =	stream.strided.scatter [tilespmem:s16], [sflag:$0x9], $0x500, s21, s10, $0x38;
	[tilespmem:$0x16000] =	vst v63  }
0x4e: {  	s14 =	sadd.s32 $0x50, s26;
	s16 =	simm.s32 $0x3900  }
0x4f: {  	[hbm4b:s14+s10] =	stream.strided.scatter [tilespmem:s16], [sflag:$0x9], $0x500, s21, s10, $0x38;
	[tilespmem:$0x16000] =	vst v63  }
0x50: {  	p0 =	seq.s32 s17, $0x0;
	s14 =	sadd.s32 $0x60, s26;
	s16 =	simm.s32 $0x3E00  }
0x51: {  	[hbm4b:s14+s10] =	stream.strided.scatter [tilespmem:s16], [sflag:$0x9], $0x500, s21, s10, $0x38;
	[tilespmem:$0x16000] =	vst v63  }
0x52: {  	s0 =	simm.s32 @!p0 $0xF;
	s14 =	sadd.s32 $0x70, s26;
	s16 =	simm.s32 $0x4300  }
0x53: {  	[hbm4b:s14+s10] =	stream.strided.scatter [tilespmem:s16], [sflag:$0x9], $0x500, s21, s10, $0x38;
	[tilespmem:$0x16000] =	vst v63  }
0x54: {  	_ =	swait.ge @!p0 [sflag:s0], $0x2800  }
0x55: {  	s29 =	sshra.s32 s17, $0x2;
	[sflag:s0] =	ssyncset.done @!p0 $0x0  }
0x56: {  	s12 =	sadd.s32 $0x300, s29;
	[sflag:s0] =	ssyncadd.s32 @!p0 $0xFFFFD800  }
0x57: {  	[tilespmem:s30], [sflag:$0x7] =	stream.indirect.gather [hbm4b:s1+s8], $0x80, s12, s8, $0xb8;
	[tilespmem:$0x16000] =	vst v63  }
0x58: {  	_ =	swait.ge [sflag:s31], $0x2800  }
0x59: {  	[sflag:s31] =	ssyncset.done $0x0  }
0x5a: {  	s14 =	sadd.s32 $0x500, s26;
	s16 =	simm.s32 $0x4800;
	[sflag:s31] =	ssyncadd.s32 $0xFFFFD800  }
0x5b: {  	[hbm4b:s14+s10] =	stream.strided.scatter [tilespmem:s16], [sflag:$0xA], $0x500, s21, s10, $0x38;
	[tilespmem:$0x16000] =	vst v63  }
0x5c: {  	s14 =	sadd.s32 $0x510, s26;
	s16 =	simm.s32 $0x4D00  }
0x5d: {  	[hbm4b:s14+s10] =	stream.strided.scatter [tilespmem:s16], [sflag:$0xA], $0x500, s21, s10, $0x38;
	[tilespmem:$0x16000] =	vst v63  }
0x5e: {  	s14 =	sadd.s32 $0x520, s26;
	s16 =	simm.s32 $0x5200  }
0x5f: {  	[hbm4b:s14+s10] =	stream.strided.scatter [tilespmem:s16], [sflag:$0xA], $0x500, s21, s10, $0x38;
	[tilespmem:$0x16000] =	vst v63  }
0x60: {  	s14 =	sadd.s32 $0x530, s26;
	s16 =	simm.s32 $0x5700  }
0x61: {  	[hbm4b:s14+s10] =	stream.strided.scatter [tilespmem:s16], [sflag:$0xA], $0x500, s21, s10, $0x38;
	[tilespmem:$0x16000] =	vst v63  }
0x62: {  	s14 =	sadd.s32 $0x540, s26;
	s16 =	simm.s32 $0x5C00  }
0x63: {  	[hbm4b:s14+s10] =	stream.strided.scatter [tilespmem:s16], [sflag:$0xA], $0x500, s21, s10, $0x38;
	[tilespmem:$0x16000] =	vst v63  }
0x64: {  	s14 =	sadd.s32 $0x550, s26;
	s16 =	simm.s32 $0x6100  }
0x65: {  	[hbm4b:s14+s10] =	stream.strided.scatter [tilespmem:s16], [sflag:$0xA], $0x500, s21, s10, $0x38;
	[tilespmem:$0x16000] =	vst v63  }
0x66: {  	s14 =	sadd.s32 $0x560, s26;
	s16 =	simm.s32 $0x6600  }
0x67: {  	[hbm4b:s14+s10] =	stream.strided.scatter [tilespmem:s16], [sflag:$0xA], $0x500, s21, s10, $0x38;
	[tilespmem:$0x16000] =	vst v63  }
0x68: {  	s0 =	simm.s32 @!p0 $0x10;
	s14 =	sadd.s32 $0x570, s26;
	s16 =	simm.s32 $0x6B00  }
0x69: {  	[hbm4b:s14+s10] =	stream.strided.scatter [tilespmem:s16], [sflag:$0xA], $0x500, s21, s10, $0x38;
	[tilespmem:$0x16000] =	vst v63  }
0x6a: {  	_ =	swait.ge @!p0 [sflag:s0], $0x2800  }
0x6b: {  	[sflag:s0] =	ssyncset.done @!p0 $0x0  }
0x6c: {  	s12 =	sadd.s32 $0x380, s29;
	[sflag:s0] =	ssyncadd.s32 @!p0 $0xFFFFD800  }
0x6d: {  	[tilespmem:s4], [sflag:$0x8] =	stream.indirect.gather [hbm4b:s1+s8], $0x80, s12, s8, $0xb8;
	[tilespmem:$0x16000] =	vst v63  }
0x6e: {  	_ =	swait.ge [sflag:s5], $0x2800  }
0x6f: {  	[sflag:s5] =	ssyncset.done $0x0  }
0x70: {  	s14 =	sadd.s32 $0xA00, s26;
	s16 =	simm.s32 $0x7000;
	[sflag:s5] =	ssyncadd.s32 $0xFFFFD800  }
0x71: {  	[hbm4b:s14+s10] =	stream.strided.scatter [tilespmem:s16], [sflag:$0xB], $0x500, s21, s10, $0x38;
	[tilespmem:$0x16000] =	vst v63  }
0x72: {  	s14 =	sadd.s32 $0xA10, s26;
	s16 =	simm.s32 $0x7500  }
0x73: {  	[hbm4b:s14+s10] =	stream.strided.scatter [tilespmem:s16], [sflag:$0xB], $0x500, s21, s10, $0x38;
	[tilespmem:$0x16000] =	vst v63  }
0x74: {  	s14 =	sadd.s32 $0xA20, s26;
	s16 =	simm.s32 $0x7A00  }
0x75: {  	[hbm4b:s14+s10] =	stream.strided.scatter [tilespmem:s16], [sflag:$0xB], $0x500, s21, s10, $0x38;
	[tilespmem:$0x16000] =	vst v63  }
0x76: {  	s14 =	sadd.s32 $0xA30, s26;
	s16 =	simm.s32 $0x7F00  }
0x77: {  	[hbm4b:s14+s10] =	stream.strided.scatter [tilespmem:s16], [sflag:$0xB], $0x500, s21, s10, $0x38;
	[tilespmem:$0x16000] =	vst v63  }
0x78: {  	s14 =	sadd.s32 $0xA40, s26;
	s16 =	simm.s32 $0x8400  }
0x79: {  	[hbm4b:s14+s10] =	stream.strided.scatter [tilespmem:s16], [sflag:$0xB], $0x500, s21, s10, $0x38;
	[tilespmem:$0x16000] =	vst v63  }
0x7a: {  	s14 =	sadd.s32 $0xA50, s26;
	s16 =	simm.s32 $0x8900  }
0x7b: {  	[hbm4b:s14+s10] =	stream.strided.scatter [tilespmem:s16], [sflag:$0xB], $0x500, s21, s10, $0x38;
	[tilespmem:$0x16000] =	vst v63  }
0x7c: {  	p0 =	seq.s32 s17, $0x7000;
	s14 =	sadd.s32 $0xA60, s26;
	s16 =	simm.s32 $0x8E00  }
0x7d: {  	[hbm4b:s14+s10] =	stream.strided.scatter [tilespmem:s16], [sflag:$0xB], $0x500, s21, s10, $0x38;
	[tilespmem:$0x16000] =	vst v63  }
0x7e: {  	s12 =	sadd.s32 $0xA70, s26;
	s0 =	simm.s32 @!p0 $0x9;
	s14 =	simm.s32 $0x9300  }
0x7f: {  	[hbm4b:s12+s10] =	stream.strided.scatter [tilespmem:s14], [sflag:$0xB], $0x500, s21, s10, $0x38;
	[tilespmem:$0x16000] =	vst v63  }
0x80: {  	_ =	swait.ge @!p0 [sflag:s0], $0x2800  }
0x81: {  	[sflag:s0] =	ssyncset.done @!p0 $0x0  }
0x82: {  	[sflag:s0] =	ssyncadd.s32 @!p0 $0xFFFFD800;
	s0 =	sshra.s32 @!p0 s17, $0x2  }
0x83: {  	s16 =	simm.s32 @!p0 $0x2000;
	s12 =	simm.s32 @!p0 $0x50;
	s14 =	sadd.s32 @!p0 $0x400, s0  }
0x84: {  	[tilespmem:s16], [sflag:$0x1] =	stream.indirect.gather @!p0 [hbm4b:s1+s12], $0x80, s14, s12, $0xb8;
	[tilespmem:$0x16000] =	vst v63  }
0x85: {  	_ =	swait.ge [sflag:s13], $0x2800  }
0x86: {  	[sflag:s13] =	ssyncset.done $0x0  }
0x87: {  	s14 =	sadd.s32 $0xF00, s26;
	s16 =	simm.s32 $0x9800;
	[sflag:s13] =	ssyncadd.s32 $0xFFFFD800  }
0x88: {  	[hbm4b:s14+s10] =	stream.strided.scatter [tilespmem:s16], [sflag:$0xC], $0x500, s21, s10, $0x38;
	[tilespmem:$0x16000] =	vst v63  }
0x89: {  	s14 =	sadd.s32 $0xF10, s26;
	s16 =	simm.s32 $0x9D00  }
0x8a: {  	[hbm4b:s14+s10] =	stream.strided.scatter [tilespmem:s16], [sflag:$0xC], $0x500, s21, s10, $0x38;
	[tilespmem:$0x16000] =	vst v63  }
0x8b: {  	s14 =	sadd.s32 $0xF20, s26;
	s16 =	simm.s32 $0xA200  }
0x8c: {  	[hbm4b:s14+s10] =	stream.strided.scatter [tilespmem:s16], [sflag:$0xC], $0x500, s21, s10, $0x38;
	[tilespmem:$0x16000] =	vst v63  }
0x8d: {  	s14 =	sadd.s32 $0xF30, s26;
	s16 =	simm.s32 $0xA700  }
0x8e: {  	[hbm4b:s14+s10] =	stream.strided.scatter [tilespmem:s16], [sflag:$0xC], $0x500, s21, s10, $0x38;
	[tilespmem:$0x16000] =	vst v63  }
0x8f: {  	s14 =	sadd.s32 $0xF40, s26;
	s16 =	simm.s32 $0xAC00  }
0x90: {  	[hbm4b:s14+s10] =	stream.strided.scatter [tilespmem:s16], [sflag:$0xC], $0x500, s21, s10, $0x38;
	[tilespmem:$0x16000] =	vst v63  }
0x91: {  	s14 =	sadd.s32 $0xF50, s26;
	s16 =	simm.s32 $0xB100  }
0x92: {  	[hbm4b:s14+s10] =	stream.strided.scatter [tilespmem:s16], [sflag:$0xC], $0x500, s21, s10, $0x38;
	[tilespmem:$0x16000] =	vst v63  }
0x93: {  	s14 =	sadd.s32 $0xF60, s26;
	s16 =	simm.s32 $0xB600  }
0x94: {  	[hbm4b:s14+s10] =	stream.strided.scatter [tilespmem:s16], [sflag:$0xC], $0x500, s21, s10, $0x38;
	[tilespmem:$0x16000] =	vst v63  }
0x95: {  	s14 =	sadd.s32 $0xF70, s26;
	s16 =	simm.s32 $0xBB00  }
0x96: {  	[hbm4b:s14+s10] =	stream.strided.scatter [tilespmem:s16], [sflag:$0xC], $0x500, s21, s10, $0x38;
	[tilespmem:$0x16000] =	vst v63  }
0x97: {  	s14 =	simm.s32 @!p0 $0xA  }
0x98: {  	_ =	swait.ge @!p0 [sflag:s14], $0x2800  }
0x99: {  	[sflag:s14] =	ssyncset.done @!p0 $0x0  }
0x9a: {  	s16 =	simm.s32 @!p0 $0x4800;
	[sflag:s14] =	ssyncadd.s32 @!p0 $0xFFFFD800;
	s14 =	sadd.s32 @!p0 $0x480, s0  }
0x9b: {  	[tilespmem:s16], [sflag:$0x2] =	stream.indirect.gather @!p0 [hbm4b:s1+s12], $0x80, s14, s12, $0xb8;
	[tilespmem:$0x16000] =	vst v63  }
0x9c: {  	_ =	swait.ge [sflag:s2], $0x2800  }
0x9d: {  	[sflag:s2] =	ssyncset.done $0x0  }
0x9e: {  	s14 =	sadd.s32 $0x1400, s26;
	s16 =	simm.s32 $0xC000;
	[sflag:s2] =	ssyncadd.s32 $0xFFFFD800  }
0x9f: {  	[hbm4b:s14+s10] =	stream.strided.scatter [tilespmem:s16], [sflag:$0xD], $0x500, s21, s10, $0x38;
	[tilespmem:$0x16000] =	vst v63  }
0xa0: {  	s14 =	sadd.s32 $0x1410, s26;
	s16 =	simm.s32 $0xC500  }
0xa1: {  	[hbm4b:s14+s10] =	stream.strided.scatter [tilespmem:s16], [sflag:$0xD], $0x500, s21, s10, $0x38;
	[tilespmem:$0x16000] =	vst v63  }
0xa2: {  	s14 =	sadd.s32 $0x1420, s26;
	s16 =	simm.s32 $0xCA00  }
0xa3: {  	[hbm4b:s14+s10] =	stream.strided.scatter [tilespmem:s16], [sflag:$0xD], $0x500, s21, s10, $0x38;
	[tilespmem:$0x16000] =	vst v63  }
0xa4: {  	s14 =	sadd.s32 $0x1430, s26;
	s16 =	simm.s32 $0xCF00  }
0xa5: {  	[hbm4b:s14+s10] =	stream.strided.scatter [tilespmem:s16], [sflag:$0xD], $0x500, s21, s10, $0x38;
	[tilespmem:$0x16000] =	vst v63  }
0xa6: {  	s14 =	sadd.s32 $0x1440, s26;
	s16 =	simm.s32 $0xD400  }
0xa7: {  	[hbm4b:s14+s10] =	stream.strided.scatter [tilespmem:s16], [sflag:$0xD], $0x500, s21, s10, $0x38;
	[tilespmem:$0x16000] =	vst v63  }
0xa8: {  	s14 =	sadd.s32 $0x1450, s26;
	s16 =	simm.s32 $0xD900  }
0xa9: {  	[hbm4b:s14+s10] =	stream.strided.scatter [tilespmem:s16], [sflag:$0xD], $0x500, s21, s10, $0x38;
	[tilespmem:$0x16000] =	vst v63  }
0xaa: {  	s14 =	sadd.s32 $0x1460, s26;
	s16 =	simm.s32 $0xDE00  }
0xab: {  	[hbm4b:s14+s10] =	stream.strided.scatter [tilespmem:s16], [sflag:$0xD], $0x500, s21, s10, $0x38;
	[tilespmem:$0x16000] =	vst v63  }
0xac: {  	s14 =	sadd.s32 $0x1470, s26;
	s16 =	simm.s32 $0xE300  }
0xad: {  	[hbm4b:s14+s10] =	stream.strided.scatter [tilespmem:s16], [sflag:$0xD], $0x500, s21, s10, $0x38;
	[tilespmem:$0x16000] =	vst v63  }
0xae: {  	s14 =	simm.s32 @!p0 $0xB  }
0xaf: {  	_ =	swait.ge @!p0 [sflag:s14], $0x2800  }
0xb0: {  	[sflag:s14] =	ssyncset.done @!p0 $0x0  }
0xb1: {  	s16 =	simm.s32 @!p0 $0x7000;
	[sflag:s14] =	ssyncadd.s32 @!p0 $0xFFFFD800;
	s14 =	sadd.s32 @!p0 $0x500, s0  }
0xb2: {  	[tilespmem:s16], [sflag:$0x3] =	stream.indirect.gather @!p0 [hbm4b:s1+s12], $0x80, s14, s12, $0xb8;
	[tilespmem:$0x16000] =	vst v63  }
0xb3: {  	_ =	swait.ge [sflag:s9], $0x2800  }
0xb4: {  	[sflag:s9] =	ssyncset.done $0x0  }
0xb5: {  	s16 =	sadd.s32 $0x1900, s26;
	[sflag:s9] =	ssyncadd.s32 $0xFFFFD800  }
0xb6: {  	[hbm4b:s16+s10] =	stream.strided.scatter [tilespmem:s19], [sflag:$0xE], $0x500, s21, s10, $0x38;
	[tilespmem:$0x16000] =	vst v63  }
0xb7: {  	s14 =	sadd.s32 $0x1910, s26;
	s16 =	simm.s32 $0xED00  }
0xb8: {  	[hbm4b:s14+s10] =	stream.strided.scatter [tilespmem:s16], [sflag:$0xE], $0x500, s21, s10, $0x38;
	[tilespmem:$0x16000] =	vst v63  }
0xb9: {  	s14 =	sadd.s32 $0x1920, s26;
	s16 =	simm.s32 $0xF200  }
0xba: {  	[hbm4b:s14+s10] =	stream.strided.scatter [tilespmem:s16], [sflag:$0xE], $0x500, s21, s10, $0x38;
	[tilespmem:$0x16000] =	vst v63  }
0xbb: {  	s14 =	sadd.s32 $0x1930, s26;
	s16 =	simm.s32 $0xF700  }
0xbc: {  	[hbm4b:s14+s10] =	stream.strided.scatter [tilespmem:s16], [sflag:$0xE], $0x500, s21, s10, $0x38;
	[tilespmem:$0x16000] =	vst v63  }
0xbd: {  	s14 =	sadd.s32 $0x1940, s26;
	s16 =	simm.s32 $0xFC00  }
0xbe: {  	[hbm4b:s14+s10] =	stream.strided.scatter [tilespmem:s16], [sflag:$0xE], $0x500, s21, s10, $0x38;
	[tilespmem:$0x16000] =	vst v63  }
0xbf: {  	s14 =	sadd.s32 $0x1950, s26;
	s16 =	simm.s32 $0x10100  }
0xc0: {  	[hbm4b:s14+s10] =	stream.strided.scatter [tilespmem:s16], [sflag:$0xE], $0x500, s21, s10, $0x38;
	[tilespmem:$0x16000] =	vst v63  }
0xc1: {  	s14 =	sadd.s32 $0x1960, s26;
	s16 =	simm.s32 $0x10600  }
0xc2: {  	[hbm4b:s14+s10] =	stream.strided.scatter [tilespmem:s16], [sflag:$0xE], $0x500, s21, s10, $0x38;
	[tilespmem:$0x16000] =	vst v63  }
0xc3: {  	s14 =	sadd.s32 $0x1970, s26;
	s16 =	simm.s32 $0x10B00  }
0xc4: {  	[hbm4b:s14+s10] =	stream.strided.scatter [tilespmem:s16], [sflag:$0xE], $0x500, s21, s10, $0x38;
	[tilespmem:$0x16000] =	vst v63  }
0xc5: {  	s14 =	simm.s32 @!p0 $0xC  }
0xc6: {  	_ =	swait.ge @!p0 [sflag:s14], $0x2800  }
0xc7: {  	[sflag:s14] =	ssyncset.done @!p0 $0x0  }
0xc8: {  	s16 =	simm.s32 @!p0 $0x9800;
	[sflag:s14] =	ssyncadd.s32 @!p0 $0xFFFFD800;
	s14 =	sadd.s32 @!p0 $0x580, s0  }
0xc9: {  	[tilespmem:s16], [sflag:$0x4] =	stream.indirect.gather @!p0 [hbm4b:s1+s12], $0x80, s14, s12, $0xb8;
	[tilespmem:$0x16000] =	vst v63  }
0xca: {  	_ =	swait.ge [sflag:s28], $0x2800  }
0xcb: {  	[sflag:s28] =	ssyncset.done $0x0  }
0xcc: {  	s16 =	sadd.s32 $0x1E00, s26;
	[sflag:s28] =	ssyncadd.s32 $0xFFFFD800  }
0xcd: {  	[hbm4b:s16+s10] =	stream.strided.scatter [tilespmem:s30], [sflag:$0xF], $0x500, s21, s10, $0x38;
	[tilespmem:$0x16000] =	vst v63  }
0xce: {  	s14 =	sadd.s32 $0x1E10, s26;
	s16 =	simm.s32 $0x11500  }
0xcf: {  	[hbm4b:s14+s10] =	stream.strided.scatter [tilespmem:s16], [sflag:$0xF], $0x500, s21, s10, $0x38;
	[tilespmem:$0x16000] =	vst v63  }
0xd0: {  	s14 =	sadd.s32 $0x1E20, s26;
	s16 =	simm.s32 $0x11A00  }
0xd1: {  	[hbm4b:s14+s10] =	stream.strided.scatter [tilespmem:s16], [sflag:$0xF], $0x500, s21, s10, $0x38;
	[tilespmem:$0x16000] =	vst v63  }
0xd2: {  	s14 =	sadd.s32 $0x1E30, s26;
	s16 =	simm.s32 $0x11F00  }
0xd3: {  	[hbm4b:s14+s10] =	stream.strided.scatter [tilespmem:s16], [sflag:$0xF], $0x500, s21, s10, $0x38;
	[tilespmem:$0x16000] =	vst v63  }
0xd4: {  	s14 =	sadd.s32 $0x1E40, s26;
	s16 =	simm.s32 $0x12400  }
0xd5: {  	[hbm4b:s14+s10] =	stream.strided.scatter [tilespmem:s16], [sflag:$0xF], $0x500, s21, s10, $0x38;
	[tilespmem:$0x16000] =	vst v63  }
0xd6: {  	s14 =	sadd.s32 $0x1E50, s26;
	s16 =	simm.s32 $0x12900  }
0xd7: {  	[hbm4b:s14+s10] =	stream.strided.scatter [tilespmem:s16], [sflag:$0xF], $0x500, s21, s10, $0x38;
	[tilespmem:$0x16000] =	vst v63  }
0xd8: {  	s14 =	sadd.s32 $0x1E60, s26;
	s16 =	simm.s32 $0x12E00  }
0xd9: {  	[hbm4b:s14+s10] =	stream.strided.scatter [tilespmem:s16], [sflag:$0xF], $0x500, s21, s10, $0x38;
	[tilespmem:$0x16000] =	vst v63  }
0xda: {  	s16 =	sadd.s32 $0x1E70, s26;
	s14 =	simm.s32 @!p0 $0xD  }
0xdb: {  	[hbm4b:s16+s10] =	stream.strided.scatter [tilespmem:s18], [sflag:$0xF], $0x500, s21, s10, $0x38;
	[tilespmem:$0x16000] =	vst v63  }
0xdc: {  	_ =	swait.ge @!p0 [sflag:s14], $0x2800  }
0xdd: {  	[sflag:s14] =	ssyncset.done @!p0 $0x0  }
0xde: {  	s0 =	sadd.s32 @!p0 $0x600, s0;
	[sflag:s14] =	ssyncadd.s32 @!p0 $0xFFFFD800;
	s14 =	simm.s32 @!p0 $0xC000  }
0xdf: {  	[tilespmem:s14], [sflag:$0x5] =	stream.indirect.gather @!p0 [hbm4b:s1+s12], $0x80, s0, s12, $0xb8;
	[tilespmem:$0x16000] =	vst v63  }
0xe0: {  	_ =	swait.ge [sflag:s3], $0x2800  }
0xe1: {  	[sflag:s3] =	ssyncset.done $0x0  }
0xe2: {  	s14 =	sadd.s32 $0x2300, s26;
	[sflag:s3] =	ssyncadd.s32 $0xFFFFD800  }
0xe3: {  	[hbm4b:s14+s10] =	stream.strided.scatter [tilespmem:s4], [sflag:$0x10], $0x500, s21, s10, $0x38;
	[tilespmem:$0x16000] =	vst v63  }
0xe4: {  	s16 =	sadd.s32 $0x2310, s26  }
0xe5: {  	[hbm4b:s16+s10] =	stream.strided.scatter [tilespmem:s6], [sflag:$0x10], $0x500, s21, s10, $0x38;
	[tilespmem:$0x16000] =	vst v63  }
0xe6: {  	s12 =	sadd.s32 $0x2320, s26  }
0xe7: {  	[hbm4b:s12+s10] =	stream.strided.scatter [tilespmem:s7], [sflag:$0x10], $0x500, s21, s10, $0x38;
	[tilespmem:$0x16000] =	vst v63  }
0xe8: {  	s14 =	sadd.s32 $0x2330, s26  }
0xe9: {  	[hbm4b:s14+s10] =	stream.strided.scatter [tilespmem:s22], [sflag:$0x10], $0x500, s21, s10, $0x38;
	[tilespmem:$0x16000] =	vst v63  }
0xea: {  	s16 =	sadd.s32 $0x2340, s26  }
0xeb: {  	[hbm4b:s16+s10] =	stream.strided.scatter [tilespmem:s11], [sflag:$0x10], $0x500, s21, s10, $0x38;
	[tilespmem:$0x16000] =	vst v63  }
0xec: {  	s12 =	sadd.s32 $0x2350, s26  }
0xed: {  	[hbm4b:s12+s10] =	stream.strided.scatter [tilespmem:s23], [sflag:$0x10], $0x500, s21, s10, $0x38;
	[tilespmem:$0x16000] =	vst v63  }
.Ltmp2:
0xee: {  	_ = 	snop;
	(pc) =	sbr.rel @p0 .LBB2_4-.Ltmp2, $4  }
0xef: {  	s14 =	sadd.s32 $0x2360, s26  }
0xf0: {  	[hbm4b:s14+s10] =	stream.strided.scatter [tilespmem:s24], [sflag:$0x10], $0x500, s21, s10, $0x38;
	[tilespmem:$0x16000] =	vst v63  }
0xf1: {  	s16 =	sadd.s32 $0x2370, s26  }
0xf2: {  	[hbm4b:s16+s10] =	stream.strided.scatter [tilespmem:s25], [sflag:$0x10], $0x500, s21, s10, $0x38;
	[tilespmem:$0x16000] =	vst v63  }
.Ltmp3:
0xf3: {  	(pc) =	sbr.rel .LBB2_2-.Ltmp3, $4  }
0xf4: {  	_ =	swait.ge [sflag:s15], $0x2800  }
0xf5: {  	s0 =	sadd.s32 $0x680, s29;
	[sflag:s15] =	ssyncset.done $0x0  }
0xf6: {  	s17 =	sadd.s32 $0x1000, s17;
	s26 =	sadd.s32 $0x2800, s26;
	[sflag:s15] =	ssyncadd.s32 $0xFFFFD800  }
0xf7: {  	[tilespmem:s19], [sflag:$0x6] =	stream.indirect.gather [hbm4b:s1+s8], $0x80, s0, s8, $0xb8;
	[tilespmem:$0x16000] =	vst v63  }
.LBB2_5:
0xf8: {  	_ =	sfence.sel $0x180000  }
0xf9: {  	[bflag:$0x0] =	sbarrier.arrive $0xFFFF  }
0xfa: {  	_ =	strace $0x90000047  }
0xfb: {  	s0 =	stileid.u32;
	[bflag:$0x2] =	sbarrier.arrive $0xFFFF  }
0xfc: {  	p0 =	sne.s32 s0, $0x0;
	s0 =	rddreg [dreg:$0x3]  }
0xfd: {  	s0 =	sadd.s32 @!p0 $0x100000, s0  }
0xfe: {  	[sflag:s0] =	ssyncadd.tile.s32 @!p0 $0x1;
	_ =	shalt  }
.Lfunc_end2:
_tile_overlayer_lowered:
.L_overlay_start_2:
0xff: {  	(tag) =	ssettag $0x2  }
0x100: {  	s0 =	rddreg [dreg:$0x0];
	s2 =	stileid.u32  }
0x101: {  	s1 =	rddreg [dreg:$0x1];
	p0 =	sne.s32 s2, $0x0  }
0x102: {  	s3 =	rddreg [dreg:$0x2];
	[bflag:$0x3] =	sbarrier.arrive $0xFFFF;
	s2 =	simm.s32 @!p0 $0x1C11  }
0x103: {  	[timem:s3], [sflag:s2] =	dma.local @!p0 [hbm:s0], s1  }
0x104: {  	s0 =	simm.s32 @!p0 $0x11  }
0x105: {  	_ =	swait.ge @!p0 [sflag:s0], s1  }
0x106: {  	s1 =	ssub.s32 @!p0 $0x0, s1;
	[sflag:s0] =	ssyncset.done @!p0 $0x0  }
0x107: {  	[sflag:s0] =	ssyncadd.s32 @!p0 s1  }
0x108: {  	[bflag:$0x3] =	sbarrier.arrive $0xFFFF  }
0x109: {  	_ =	shalt  }

</sc_bundles>
